<compile_context>
chip_gen: v7x
topology: tpu7x:2x2x1
jax: 0.10.2.dev20260603
libtpu: 0.0.44.dev20260713+nightly
codegen_flags: <defaults>
</compile_context>

<pallas_src>
import functools

import jax
import jax.numpy as jnp
from jax import lax
from jax.experimental import pallas as pl
from jax.experimental.pallas import tpu as pltpu
from jax.experimental.pallas import tpu_sc as plsc

N = 10000
E = 320000
F = 128

NC = 2
NS = 16
NW = NC * NS
EPW = E // NW
C = 128
NCHF = EPW // C
TAIL = EPW - NCHF * C
NPAIR = NCHF // 2
NP = 10112
RPT = NP // NS
KI = RPT // C
KR = RPT - KI * C
L = 16

_mesh = plsc.VectorSubcoreMesh(core_axis_name="c", subcore_axis_name="s")


@functools.partial(
    pl.kernel,
    out_type=[
        jax.ShapeDtypeStruct((NC, NP, F), jnp.float32),
        jax.ShapeDtypeStruct((NC, NP, F), jnp.float32),
    ],
    mesh=_mesh,
    scratch_types=[
        pltpu.VMEM((C,), jnp.int32),
        pltpu.VMEM((C,), jnp.int32),
        pltpu.VMEM((C,), jnp.int32),
        pltpu.VMEM((C,), jnp.int32),
        pltpu.VMEM((C, F), jnp.float32),
        pltpu.VMEM((C, F), jnp.float32),
        pltpu.VMEM((TAIL,), jnp.int32),
        pltpu.VMEM((TAIL,), jnp.int32),
        pltpu.VMEM_SHARED((NP, F), jnp.float32),
        pltpu.SemaphoreType.DMA,
        pltpu.SemaphoreType.DMA,
        pltpu.SemaphoreType.DMA,
        pltpu.SemaphoreType.DMA,
    ],
)
def _scatter_gather_kernel(ei_hbm, x_hbm, acc_out, cnt_out,
                           src0, src1, dst0, dst1, rows0, rows1, srcT,
                           dstT, acc_s, semg0, semg1, semi0, semi1):
    cid = lax.axis_index("c")
    sid = lax.axis_index("s")
    wid = cid * NS + sid
    base = wid * EPW
    r0 = sid * RPT

    zf16 = jnp.zeros((L,), jnp.float32)
    one16 = jnp.ones((L,), jnp.float32)

    def fill_rows0(vec):
        def fill_body(r, carry):
            for cvec in range(F // L):
                rows0[r, pl.ds(cvec * L, L)] = vec
            return carry

        lax.fori_loop(0, C, fill_body, 0)

    def zero_acc():
        for k in range(KI):
            pltpu.sync_copy(rows0, acc_s.at[pl.ds(r0 + k * C, C)])
        pltpu.sync_copy(rows0.at[pl.ds(0, KR)],
                        acc_s.at[pl.ds(r0 + KI * C, KR)])

    def writeback(out_ref):
        for k in range(KI):
            pltpu.sync_copy(acc_s.at[pl.ds(r0 + k * C, C)], rows1)
            pltpu.sync_copy(rows1, out_ref.at[cid].at[pl.ds(r0 + k * C, C)])
        pltpu.sync_copy(acc_s.at[pl.ds(r0 + KI * C, KR)],
                        rows1.at[pl.ds(0, KR)])
        pltpu.sync_copy(rows1.at[pl.ds(0, KR)],
                        out_ref.at[cid].at[pl.ds(r0 + KI * C, KR)])

    def fetch(j, sbuf, dbuf, sem):
        pltpu.async_copy(ei_hbm.at[pl.ds(base + j * C, C)], sbuf, sem)
        pltpu.async_copy(ei_hbm.at[pl.ds(E + base + j * C, C)], dbuf, sem)

    def fetch_wait(j, sbuf, dbuf, sem):
        pltpu.make_async_copy(ei_hbm.at[pl.ds(base + j * C, C)], sbuf,
                              sem).wait()
        pltpu.make_async_copy(ei_hbm.at[pl.ds(E + base + j * C, C)], dbuf,
                              sem).wait()

    def fetch_d(j, dbuf, sem):
        pltpu.async_copy(ei_hbm.at[pl.ds(E + base + j * C, C)], dbuf, sem)

    def fetch_d_wait(j, dbuf, sem):
        pltpu.make_async_copy(ei_hbm.at[pl.ds(E + base + j * C, C)], dbuf,
                              sem).wait()

    fill_rows0(zf16)
    zero_acc()
    plsc.subcore_barrier()

    fetch(0, src0, dst0, semi0)
    fetch(1, src1, dst1, semi1)
    fetch_wait(0, src0, dst0, semi0)
    pltpu.async_copy(x_hbm.at[src0], rows0, semg0)
    fetch_wait(1, src1, dst1, semi1)

    def sum_body(i, carry):
        j0 = 2 * i
        pltpu.async_copy(x_hbm.at[src1], rows1, semg1)
        pltpu.make_async_copy(x_hbm.at[src0], rows0, semg0).wait()
        pltpu.sync_copy(rows0, acc_s.at[dst0], add=True)

        @pl.when(i + 1 < NPAIR)
        def _():
            fetch(j0 + 2, src0, dst0, semi0)

        pltpu.make_async_copy(x_hbm.at[src1], rows1, semg1).wait()
        pltpu.sync_copy(rows1, acc_s.at[dst1], add=True)

        @pl.when(i + 1 < NPAIR)
        def _():
            fetch(j0 + 3, src1, dst1, semi1)
            fetch_wait(j0 + 2, src0, dst0, semi0)
            pltpu.async_copy(x_hbm.at[src0], rows0, semg0)
            fetch_wait(j0 + 3, src1, dst1, semi1)

        return carry

    lax.fori_loop(0, NPAIR, sum_body, 0)

    tb = base + NCHF * C
    pltpu.sync_copy(ei_hbm.at[pl.ds(tb, TAIL)], srcT)
    pltpu.sync_copy(ei_hbm.at[pl.ds(E + tb, TAIL)], dstT)
    pltpu.async_copy(x_hbm.at[srcT], rows0.at[pl.ds(0, TAIL)],
                     semg0).wait()
    pltpu.sync_copy(rows0.at[pl.ds(0, TAIL)], acc_s.at[dstT], add=True)

    fetch_d(0, dst0, semi0)
    fetch_d(1, dst1, semi1)
    fill_rows0(one16)
    plsc.subcore_barrier()
    writeback(acc_out)
    plsc.subcore_barrier()

    fetch_d_wait(0, dst0, semi0)
    pltpu.async_copy(rows0, acc_s.at[dst0], semg0, add=True)
    fetch_d_wait(1, dst1, semi1)

    def cnt_body(i, carry):
        j0 = 2 * i
        pltpu.async_copy(rows0, acc_s.at[dst1], semg1, add=True)
        pltpu.make_async_copy(rows0, acc_s.at[dst0], semg0).wait()

        @pl.when(i + 1 < NPAIR)
        def _():
            fetch_d(j0 + 2, dst0, semi0)

        pltpu.make_async_copy(rows0, acc_s.at[dst1], semg1).wait()

        @pl.when(i + 1 < NPAIR)
        def _():
            fetch_d(j0 + 3, dst1, semi1)
            fetch_d_wait(j0 + 2, dst0, semi0)
            pltpu.async_copy(rows0, acc_s.at[dst0], semg0, add=True)
            fetch_d_wait(j0 + 3, dst1, semi1)

        return carry

    lax.fori_loop(0, NPAIR, cnt_body, 0)

    pltpu.sync_copy(ei_hbm.at[pl.ds(E + tb, TAIL)], dstT)
    pltpu.sync_copy(rows0.at[pl.ds(0, TAIL)], acc_s.at[dstT], add=True)

    plsc.subcore_barrier()
    writeback(cnt_out)


_BN = 2000


def _combine_body(acc_ref, cnt_ref, out_ref):
    s = acc_ref[0] + acc_ref[1]
    c = (cnt_ref[0, :, 0:1] + cnt_ref[1, :, 0:1]) - s[:, 0:1]
    out_ref[...] = s / jnp.maximum(c, 1.0)


def _combine(acc2, cnt2):
    return pl.pallas_call(
        _combine_body,
        grid=(N // _BN,),
        in_specs=[
            pl.BlockSpec((NC, _BN, F), lambda i: (0, i, 0)),
            pl.BlockSpec((NC, _BN, F), lambda i: (0, i, 0)),
        ],
        out_specs=pl.BlockSpec((_BN, F), lambda i: (i, 0)),
        out_shape=jax.ShapeDtypeStruct((N, F), jnp.float32),
    )(acc2, cnt2)


def kernel(x, edge_index):
    acc2, cnt2 = _scatter_gather_kernel(edge_index.reshape(2 * E), x)
    return _combine(acc2, cnt2)

# --- scband reference (transcript-rebuilt; emitter-appended) ---
"""Pipeline reference for scband-message-passing-23235773072078 (READ-ONLY COPY).

The authoritative reference and input builder live on the scoring server;
editing this copy changes nothing except your own understanding.
"""

import jax, jax.numpy as jnp
import numpy as np

N = 10000
E = 320000
F = 128

def setup_inputs(seed: int = 0):
    key = jax.random.key(seed)
    k1, k2 = jax.random.split(key)
    x = jax.random.normal(k1, (N, F), dtype=jnp.float32)
    edge_index = jax.random.randint(k2, (2, E), 0, N, dtype=jnp.int32)
    return {"x": x, "edge_index": edge_index}

def reference(x, edge_index):
    # propagate: gather source/target features along edges
    src = edge_index[0, :]
    dst = edge_index[1, :]
    x_i = jnp.take(x, src, axis=0)   # source node features [E, F]
    x_j = jnp.take(x, dst, axis=0)   # target node features [E, F] (unused by message)
    messages = x_i                    # message(x_i, x_j) = x_i
    # aggregate with aggr='mean': segment_sum / max(count, 1)
    seg_sum = jax.ops.segment_sum(messages, dst, num_segments=N)
    seg_cnt = jax.ops.segment_sum(jnp.ones((messages.shape[0], 1), dtype=messages.dtype), dst, num_segments=N)
    aggregated = seg_sum / jnp.maximum(seg_cnt, jnp.ones_like(seg_cnt))
    # update is identity
    return aggregated

if __name__ == "__main__":
    import jax
    _d = setup_inputs()
    print(jax.jit(kernel)(*tuple(_d.values())))

</pallas_src>

<mosaic_0001>
#map = affine_map<(d0, d1) -> (0)>
#map1 = affine_map<(d0, d1) -> (0, 0)>
#map2 = affine_map<(d0, d1) -> (0, 0, 0)>
module attributes {stable_mosaic.version = 14 : i64} {
  func.func @_scatter_gather_kernel(%arg0: i32, %arg1: i32, %arg2: memref<640000xi32, #tpu.memory_space<hbm>>, %arg3: memref<10000x128xf32, #tpu.memory_space<hbm>>, %arg4: memref<2x10112x128xf32, #tpu.memory_space<hbm>>, %arg5: memref<2x10112x128xf32, #tpu.memory_space<hbm>>, %arg6: memref<128xi32, #tpu.memory_space<vmem>>, %arg7: memref<128xi32, #tpu.memory_space<vmem>>, %arg8: memref<128xi32, #tpu.memory_space<vmem>>, %arg9: memref<128xi32, #tpu.memory_space<vmem>>, %arg10: memref<128x128xf32, #tpu.memory_space<vmem>>, %arg11: memref<128x128xf32, #tpu.memory_space<vmem>>, %arg12: memref<16xi32, #tpu.memory_space<vmem>>, %arg13: memref<16xi32, #tpu.memory_space<vmem>>, %arg14: memref<10112x128xf32, #tpu.memory_space<vmem_shared>>, %arg15: memref<!tpu.dma_semaphore, #tpu.memory_space<semaphore_mem>>, %arg16: memref<!tpu.dma_semaphore, #tpu.memory_space<semaphore_mem>>, %arg17: memref<!tpu.dma_semaphore, #tpu.memory_space<semaphore_mem>>, %arg18: memref<!tpu.dma_semaphore, #tpu.memory_space<semaphore_mem>>) attributes {dimension_semantics = [#tpu.dimension_semantics<core_parallel>, #tpu.dimension_semantics<subcore_parallel>], iteration_bounds = array<i64: 2, 16>, scalar_prefetch = 0 : i64, scratch_operands = 13 : i64, tpu.core_type = #tpu.core_type<sc_vector_subcore>, window_params = [{transform_indices = #map}, {transform_indices = #map1}, {transform_indices = #map2}, {transform_indices = #map2}]} {
    %mul3A = arith.constant 16 : i32
    %mul3A_0 = arith.muli %arg0, %mul3A : i32
    %add3A = arith.addi %mul3A_0, %arg1 : i32
    %mul3A_1 = arith.constant 10000 : i32
    %mul3A_2 = arith.muli %add3A, %mul3A_1 : i32
    %mul3A_3 = arith.constant 632 : i32
    %mul3A_4 = arith.muli %arg1, %mul3A_3 : i32
    %broadcast_in_dim3A = arith.constant 0.000000e+00 : f32
    %broadcast_in_dim3A_5 = vector.broadcast %broadcast_in_dim3A : f32 to vector<16xf32>
    %broadcast_in_dim3A_6 = arith.constant 1.000000e+00 : f32
    %broadcast_in_dim3A_7 = vector.broadcast %broadcast_in_dim3A_6 : f32 to vector<16xf32>
    %scan3A = arith.constant 0 : i32
    %scan3A_8 = arith.constant 0 : i32
    %scan3A_9 = arith.constant 128 : i32
    %scan3A_10 = arith.addi %scan3A_8, %scan3A_9 : i32
    %scan3A_11 = arith.constant 1 : i32
    scf.for %scan3A_170 = %scan3A_8 to %scan3A_10 step %scan3A_11  : i32 {
      %swap3A = arith.index_cast %scan3A_170 : i32 to index
      %swap3A_171 = arith.constant 0 : index
      %swap3A_172 = tpu.vector_load %arg10[%swap3A, %swap3A_171] {strides = array<i32>} : memref<128x128xf32, #tpu.memory_space<vmem>>, vector<1x16xf32>,
      %swap3A_173 = vector.shape_cast %swap3A_172 : vector<1x16xf32> to vector<16xf32>
      %swap3A_174 = vector.shape_cast %broadcast_in_dim3A_5 : vector<16xf32> to vector<1x16xf32>
      tpu.vector_store %arg10[%swap3A, %swap3A_171], %swap3A_174 {strides = array<i32>} : memref<128x128xf32, #tpu.memory_space<vmem>>, vector<1x16xf32>,
      %swap3A_175 = arith.index_cast %scan3A_170 : i32 to index
      %swap3A_176 = arith.constant 16 : index
      %swap3A_177 = tpu.vector_load %arg10[%swap3A_175, %swap3A_176] {strides = array<i32>} : memref<128x128xf32, #tpu.memory_space<vmem>>, vector<1x16xf32>,
      %swap3A_178 = vector.shape_cast %swap3A_177 : vector<1x16xf32> to vector<16xf32>
      %swap3A_179 = vector.shape_cast %broadcast_in_dim3A_5 : vector<16xf32> to vector<1x16xf32>
      tpu.vector_store %arg10[%swap3A_175, %swap3A_176], %swap3A_179 {strides = array<i32>} : memref<128x128xf32, #tpu.memory_space<vmem>>, vector<1x16xf32>,
      %swap3A_180 = arith.index_cast %scan3A_170 : i32 to index
      %swap3A_181 = arith.constant 32 : index
      %swap3A_182 = tpu.vector_load %arg10[%swap3A_180, %swap3A_181] {strides = array<i32>} : memref<128x128xf32, #tpu.memory_space<vmem>>, vector<1x16xf32>,
      %swap3A_183 = vector.shape_cast %swap3A_182 : vector<1x16xf32> to vector<16xf32>
      %swap3A_184 = vector.shape_cast %broadcast_in_dim3A_5 : vector<16xf32> to vector<1x16xf32>
      tpu.vector_store %arg10[%swap3A_180, %swap3A_181], %swap3A_184 {strides = array<i32>} : memref<128x128xf32, #tpu.memory_space<vmem>>, vector<1x16xf32>,
      %swap3A_185 = arith.index_cast %scan3A_170 : i32 to index
      %swap3A_186 = arith.constant 48 : index
      %swap3A_187 = tpu.vector_load %arg10[%swap3A_185, %swap3A_186] {strides = array<i32>} : memref<128x128xf32, #tpu.memory_space<vmem>>, vector<1x16xf32>,
      %swap3A_188 = vector.shape_cast %swap3A_187 : vector<1x16xf32> to vector<16xf32>
      %swap3A_189 = vector.shape_cast %broadcast_in_dim3A_5 : vector<16xf32> to vector<1x16xf32>
      tpu.vector_store %arg10[%swap3A_185, %swap3A_186], %swap3A_189 {strides = array<i32>} : memref<128x128xf32, #tpu.memory_space<vmem>>, vector<1x16xf32>,
      %swap3A_190 = arith.index_cast %scan3A_170 : i32 to index
      %swap3A_191 = arith.constant 64 : index
      %swap3A_192 = tpu.vector_load %arg10[%swap3A_190, %swap3A_191] {strides = array<i32>} : memref<128x128xf32, #tpu.memory_space<vmem>>, vector<1x16xf32>,
      %swap3A_193 = vector.shape_cast %swap3A_192 : vector<1x16xf32> to vector<16xf32>
      %swap3A_194 = vector.shape_cast %broadcast_in_dim3A_5 : vector<16xf32> to vector<1x16xf32>
      tpu.vector_store %arg10[%swap3A_190, %swap3A_191], %swap3A_194 {strides = array<i32>} : memref<128x128xf32, #tpu.memory_space<vmem>>, vector<1x16xf32>,
      %swap3A_195 = arith.index_cast %scan3A_170 : i32 to index
      %swap3A_196 = arith.constant 80 : index
      %swap3A_197 = tpu.vector_load %arg10[%swap3A_195, %swap3A_196] {strides = array<i32>} : memref<128x128xf32, #tpu.memory_space<vmem>>, vector<1x16xf32>,
      %swap3A_198 = vector.shape_cast %swap3A_197 : vector<1x16xf32> to vector<16xf32>
      %swap3A_199 = vector.shape_cast %broadcast_in_dim3A_5 : vector<16xf32> to vector<1x16xf32>
      tpu.vector_store %arg10[%swap3A_195, %swap3A_196], %swap3A_199 {strides = array<i32>} : memref<128x128xf32, #tpu.memory_space<vmem>>, vector<1x16xf32>,
      %swap3A_200 = arith.index_cast %scan3A_170 : i32 to index
      %swap3A_201 = arith.constant 96 : index
      %swap3A_202 = tpu.vector_load %arg10[%swap3A_200, %swap3A_201] {strides = array<i32>} : memref<128x128xf32, #tpu.memory_space<vmem>>, vector<1x16xf32>,
      %swap3A_203 = vector.shape_cast %swap3A_202 : vector<1x16xf32> to vector<16xf32>
      %swap3A_204 = vector.shape_cast %broadcast_in_dim3A_5 : vector<16xf32> to vector<1x16xf32>
      tpu.vector_store %arg10[%swap3A_200, %swap3A_201], %swap3A_204 {strides = array<i32>} : memref<128x128xf32, #tpu.memory_space<vmem>>, vector<1x16xf32>,
      %swap3A_205 = arith.index_cast %scan3A_170 : i32 to index
      %swap3A_206 = arith.constant 112 : index
      %swap3A_207 = tpu.vector_load %arg10[%swap3A_205, %swap3A_206] {strides = array<i32>} : memref<128x128xf32, #tpu.memory_space<vmem>>, vector<1x16xf32>,
      %swap3A_208 = vector.shape_cast %swap3A_207 : vector<1x16xf32> to vector<16xf32>
      %swap3A_209 = vector.shape_cast %broadcast_in_dim3A_5 : vector<16xf32> to vector<1x16xf32>
      tpu.vector_store %arg10[%swap3A_205, %swap3A_206], %swap3A_209 {strides = array<i32>} : memref<128x128xf32, #tpu.memory_space<vmem>>, vector<1x16xf32>,
    }
    %scan3A_12 = arith.constant 128 : i32
    %add3A_13 = arith.constant 0 : i32
    %add3A_14 = arith.addi %mul3A_4, %add3A_13 : i32
    "tpu.region"() ({
      %run_scoped3A = tpu.sem_alloc : memref<!tpu.dma_semaphore, #tpu.memory_space<semaphore_mem>>
      %dma_start3A_170 = arith.constant 0 : i32
      %dma_start3A_171 = tpu.memref_slice %arg14[%add3A_14, %dma_start3A_170] : memref<10112x128xf32, #tpu.memory_space<vmem_shared>> -> memref<128x128xf32, #tpu.memory_space<vmem_shared>>
      %dma_start3A_172 = arith.constant 0 : i32
      %dma_start3A_173 = tpu.memref_slice %arg14[%add3A_14, %dma_start3A_172] : memref<10112x128xf32, #tpu.memory_space<vmem_shared>> -> memref<128x128xf32, #tpu.memory_space<vmem_shared>>
      tpu.enqueue_dma source(%arg10 : memref<128x128xf32, #tpu.memory_space<vmem>>) target(%dma_start3A_173 : memref<128x128xf32, #tpu.memory_space<vmem_shared>>) target_semaphore(%run_scoped3A : memref<!tpu.dma_semaphore, #tpu.memory_space<semaphore_mem>>)
      %dma_wait3A_174 = arith.constant 0 : i32
      %dma_wait3A_175 = tpu.memref_slice %arg14[%add3A_14, %dma_wait3A_174] : memref<10112x128xf32, #tpu.memory_space<vmem_shared>> -> memref<128x128xf32, #tpu.memory_space<vmem_shared>>
      %dma_wait3A_176 = arith.constant 0 : i32
      %dma_wait3A_177 = tpu.memref_slice %arg14[%add3A_14, %dma_wait3A_176] : memref<10112x128xf32, #tpu.memory_space<vmem_shared>> -> memref<128x128xf32, #tpu.memory_space<vmem_shared>>
      tpu.wait_dma2 semaphore(%run_scoped3A : memref<!tpu.dma_semaphore, #tpu.memory_space<semaphore_mem>>) src(%arg10 : memref<128x128xf32, #tpu.memory_space<vmem>>) dst(%dma_wait3A_177 : memref<128x128xf32, #tpu.memory_space<vmem_shared>>)
      tpu.yield
    }) : () -> ()
    %add3A_15 = arith.constant 128 : i32
    %add3A_16 = arith.addi %mul3A_4, %add3A_15 : i32
    "tpu.region"() ({
      %run_scoped3A = tpu.sem_alloc : memref<!tpu.dma_semaphore, #tpu.memory_space<semaphore_mem>>
      %dma_start3A_170 = arith.constant 0 : i32
      %dma_start3A_171 = tpu.memref_slice %arg14[%add3A_16, %dma_start3A_170] : memref<10112x128xf32, #tpu.memory_space<vmem_shared>> -> memref<128x128xf32, #tpu.memory_space<vmem_shared>>
      %dma_start3A_172 = arith.constant 0 : i32
      %dma_start3A_173 = tpu.memref_slice %arg14[%add3A_16, %dma_start3A_172] : memref<10112x128xf32, #tpu.memory_space<vmem_shared>> -> memref<128x128xf32, #tpu.memory_space<vmem_shared>>
      tpu.enqueue_dma source(%arg10 : memref<128x128xf32, #tpu.memory_space<vmem>>) target(%dma_start3A_173 : memref<128x128xf32, #tpu.memory_space<vmem_shared>>) target_semaphore(%run_scoped3A : memref<!tpu.dma_semaphore, #tpu.memory_space<semaphore_mem>>)
      %dma_wait3A_174 = arith.constant 0 : i32
      %dma_wait3A_175 = tpu.memref_slice %arg14[%add3A_16, %dma_wait3A_174] : memref<10112x128xf32, #tpu.memory_space<vmem_shared>> -> memref<128x128xf32, #tpu.memory_space<vmem_shared>>
      %dma_wait3A_176 = arith.constant 0 : i32
      %dma_wait3A_177 = tpu.memref_slice %arg14[%add3A_16, %dma_wait3A_176] : memref<10112x128xf32, #tpu.memory_space<vmem_shared>> -> memref<128x128xf32, #tpu.memory_space<vmem_shared>>
      tpu.wait_dma2 semaphore(%run_scoped3A : memref<!tpu.dma_semaphore, #tpu.memory_space<semaphore_mem>>) src(%arg10 : memref<128x128xf32, #tpu.memory_space<vmem>>) dst(%dma_wait3A_177 : memref<128x128xf32, #tpu.memory_space<vmem_shared>>)
      tpu.yield
    }) : () -> ()
    %add3A_17 = arith.constant 256 : i32
    %add3A_18 = arith.addi %mul3A_4, %add3A_17 : i32
    "tpu.region"() ({
      %run_scoped3A = tpu.sem_alloc : memref<!tpu.dma_semaphore, #tpu.memory_space<semaphore_mem>>
      %dma_start3A_170 = arith.constant 0 : i32
      %dma_start3A_171 = tpu.memref_slice %arg14[%add3A_18, %dma_start3A_170] : memref<10112x128xf32, #tpu.memory_space<vmem_shared>> -> memref<128x128xf32, #tpu.memory_space<vmem_shared>>
      %dma_start3A_172 = arith.constant 0 : i32
      %dma_start3A_173 = tpu.memref_slice %arg14[%add3A_18, %dma_start3A_172] : memref<10112x128xf32, #tpu.memory_space<vmem_shared>> -> memref<128x128xf32, #tpu.memory_space<vmem_shared>>
      tpu.enqueue_dma source(%arg10 : memref<128x128xf32, #tpu.memory_space<vmem>>) target(%dma_start3A_173 : memref<128x128xf32, #tpu.memory_space<vmem_shared>>) target_semaphore(%run_scoped3A : memref<!tpu.dma_semaphore, #tpu.memory_space<semaphore_mem>>)
      %dma_wait3A_174 = arith.constant 0 : i32
      %dma_wait3A_175 = tpu.memref_slice %arg14[%add3A_18, %dma_wait3A_174] : memref<10112x128xf32, #tpu.memory_space<vmem_shared>> -> memref<128x128xf32, #tpu.memory_space<vmem_shared>>
      %dma_wait3A_176 = arith.constant 0 : i32
      %dma_wait3A_177 = tpu.memref_slice %arg14[%add3A_18, %dma_wait3A_176] : memref<10112x128xf32, #tpu.memory_space<vmem_shared>> -> memref<128x128xf32, #tpu.memory_space<vmem_shared>>
      tpu.wait_dma2 semaphore(%run_scoped3A : memref<!tpu.dma_semaphore, #tpu.memory_space<semaphore_mem>>) src(%arg10 : memref<128x128xf32, #tpu.memory_space<vmem>>) dst(%dma_wait3A_177 : memref<128x128xf32, #tpu.memory_space<vmem_shared>>)
      tpu.yield
    }) : () -> ()
    %add3A_19 = arith.constant 384 : i32
    %add3A_20 = arith.addi %mul3A_4, %add3A_19 : i32
    "tpu.region"() ({
      %run_scoped3A = tpu.sem_alloc : memref<!tpu.dma_semaphore, #tpu.memory_space<semaphore_mem>>
      %dma_start3A_170 = arith.constant 0 : i32
      %dma_start3A_171 = tpu.memref_slice %arg14[%add3A_20, %dma_start3A_170] : memref<10112x128xf32, #tpu.memory_space<vmem_shared>> -> memref<128x128xf32, #tpu.memory_space<vmem_shared>>
      %dma_start3A_172 = arith.constant 0 : i32
      %dma_start3A_173 = tpu.memref_slice %arg14[%add3A_20, %dma_start3A_172] : memref<10112x128xf32, #tpu.memory_space<vmem_shared>> -> memref<128x128xf32, #tpu.memory_space<vmem_shared>>
      tpu.enqueue_dma source(%arg10 : memref<128x128xf32, #tpu.memory_space<vmem>>) target(%dma_start3A_173 : memref<128x128xf32, #tpu.memory_space<vmem_shared>>) target_semaphore(%run_scoped3A : memref<!tpu.dma_semaphore, #tpu.memory_space<semaphore_mem>>)
      %dma_wait3A_174 = arith.constant 0 : i32
      %dma_wait3A_175 = tpu.memref_slice %arg14[%add3A_20, %dma_wait3A_174] : memref<10112x128xf32, #tpu.memory_space<vmem_shared>> -> memref<128x128xf32, #tpu.memory_space<vmem_shared>>
      %dma_wait3A_176 = arith.constant 0 : i32
      %dma_wait3A_177 = tpu.memref_slice %arg14[%add3A_20, %dma_wait3A_176] : memref<10112x128xf32, #tpu.memory_space<vmem_shared>> -> memref<128x128xf32, #tpu.memory_space<vmem_shared>>
      tpu.wait_dma2 semaphore(%run_scoped3A : memref<!tpu.dma_semaphore, #tpu.memory_space<semaphore_mem>>) src(%arg10 : memref<128x128xf32, #tpu.memory_space<vmem>>) dst(%dma_wait3A_177 : memref<128x128xf32, #tpu.memory_space<vmem_shared>>)
      tpu.yield
    }) : () -> ()
    %add3A_21 = arith.constant 512 : i32
    %add3A_22 = arith.addi %mul3A_4, %add3A_21 : i32
    "tpu.region"() ({
      %run_scoped3A = tpu.sem_alloc : memref<!tpu.dma_semaphore, #tpu.memory_space<semaphore_mem>>
      %dma_start3A_170 = arith.constant 0 : i32
      %dma_start3A_171 = arith.constant 0 : i32
      %dma_start3A_172 = tpu.memref_slice %arg10[%dma_start3A_170, %dma_start3A_171] : memref<128x128xf32, #tpu.memory_space<vmem>> -> memref<120x128xf32, #tpu.memory_space<vmem>>
      %dma_start3A_173 = arith.constant 0 : i32
      %dma_start3A_174 = tpu.memref_slice %arg14[%add3A_22, %dma_start3A_173] : memref<10112x128xf32, #tpu.memory_space<vmem_shared>> -> memref<120x128xf32, #tpu.memory_space<vmem_shared>>
      %dma_start3A_175 = arith.constant 0 : i32
      %dma_start3A_176 = tpu.memref_slice %arg14[%add3A_22, %dma_start3A_175] : memref<10112x128xf32, #tpu.memory_space<vmem_shared>> -> memref<120x128xf32, #tpu.memory_space<vmem_shared>>
      %dma_start3A_177 = arith.constant 0 : i32
      %dma_start3A_178 = arith.constant 0 : i32
      %dma_start3A_179 = tpu.memref_slice %arg10[%dma_start3A_177, %dma_start3A_178] : memref<128x128xf32, #tpu.memory_space<vmem>> -> memref<120x128xf32, #tpu.memory_space<vmem>>
      tpu.enqueue_dma source(%dma_start3A_179 : memref<120x128xf32, #tpu.memory_space<vmem>>) target(%dma_start3A_176 : memref<120x128xf32, #tpu.memory_space<vmem_shared>>) target_semaphore(%run_scoped3A : memref<!tpu.dma_semaphore, #tpu.memory_space<semaphore_mem>>)
      %dma_wait3A_180 = arith.constant 0 : i32
      %dma_wait3A_181 = arith.constant 0 : i32
      %dma_wait3A_182 = tpu.memref_slice %arg10[%dma_wait3A_180, %dma_wait3A_181] : memref<128x128xf32, #tpu.memory_space<vmem>> -> memref<120x128xf32, #tpu.memory_space<vmem>>
      %dma_wait3A_183 = arith.constant 0 : i32
      %dma_wait3A_184 = tpu.memref_slice %arg14[%add3A_22, %dma_wait3A_183] : memref<10112x128xf32, #tpu.memory_space<vmem_shared>> -> memref<120x128xf32, #tpu.memory_space<vmem_shared>>
      %dma_wait3A_185 = arith.constant 0 : i32
      %dma_wait3A_186 = tpu.memref_slice %arg14[%add3A_22, %dma_wait3A_185] : memref<10112x128xf32, #tpu.memory_space<vmem_shared>> -> memref<120x128xf32, #tpu.memory_space<vmem_shared>>
      %dma_wait3A_187 = arith.constant 0 : i32
      %dma_wait3A_188 = arith.constant 0 : i32
      %dma_wait3A_189 = tpu.memref_slice %arg10[%dma_wait3A_187, %dma_wait3A_188] : memref<128x128xf32, #tpu.memory_space<vmem>> -> memref<120x128xf32, #tpu.memory_space<vmem>>
      tpu.wait_dma2 semaphore(%run_scoped3A : memref<!tpu.dma_semaphore, #tpu.memory_space<semaphore_mem>>) src(%dma_wait3A_189 : memref<120x128xf32, #tpu.memory_space<vmem>>) dst(%dma_wait3A_186 : memref<120x128xf32, #tpu.memory_space<vmem_shared>>)
      tpu.yield
    }) : () -> ()
    %barrier3A = arith.constant 0 : index
    tpu.barrier barrier_id(%barrier3A)
    %add3A_23 = arith.constant 0 : i32
    %add3A_24 = arith.addi %mul3A_2, %add3A_23 : i32
    %dma_start3A = tpu.memref_slice %arg2[%add3A_24] : memref<640000xi32, #tpu.memory_space<hbm>> -> memref<128xi32, #tpu.memory_space<hbm>>
    %dma_start3A_25 = tpu.memref_slice %arg2[%add3A_24] : memref<640000xi32, #tpu.memory_space<hbm>> -> memref<128xi32, #tpu.memory_space<hbm>>
    tpu.enqueue_dma source(%dma_start3A_25 : memref<128xi32, #tpu.memory_space<hbm>>) target(%arg6 : memref<128xi32, #tpu.memory_space<vmem>>) target_semaphore(%arg17 : memref<!tpu.dma_semaphore, #tpu.memory_space<semaphore_mem>>)
    %add3A_26 = arith.constant 320000 : i32
    %add3A_27 = arith.addi %add3A_26, %mul3A_2 : i32
    %add3A_28 = arith.constant 0 : i32
    %add3A_29 = arith.addi %add3A_27, %add3A_28 : i32
    %dma_start3A_30 = tpu.memref_slice %arg2[%add3A_29] : memref<640000xi32, #tpu.memory_space<hbm>> -> memref<128xi32, #tpu.memory_space<hbm>>
    %dma_start3A_31 = tpu.memref_slice %arg2[%add3A_29] : memref<640000xi32, #tpu.memory_space<hbm>> -> memref<128xi32, #tpu.memory_space<hbm>>
    tpu.enqueue_dma source(%dma_start3A_31 : memref<128xi32, #tpu.memory_space<hbm>>) target(%arg8 : memref<128xi32, #tpu.memory_space<vmem>>) target_semaphore(%arg17 : memref<!tpu.dma_semaphore, #tpu.memory_space<semaphore_mem>>)
    %add3A_32 = arith.constant 128 : i32
    %add3A_33 = arith.addi %mul3A_2, %add3A_32 : i32
    %dma_start3A_34 = tpu.memref_slice %arg2[%add3A_33] : memref<640000xi32, #tpu.memory_space<hbm>> -> memref<128xi32, #tpu.memory_space<hbm>>
    %dma_start3A_35 = tpu.memref_slice %arg2[%add3A_33] : memref<640000xi32, #tpu.memory_space<hbm>> -> memref<128xi32, #tpu.memory_space<hbm>>
    tpu.enqueue_dma source(%dma_start3A_35 : memref<128xi32, #tpu.memory_space<hbm>>) target(%arg7 : memref<128xi32, #tpu.memory_space<vmem>>) target_semaphore(%arg18 : memref<!tpu.dma_semaphore, #tpu.memory_space<semaphore_mem>>)
    %add3A_36 = arith.constant 320000 : i32
    %add3A_37 = arith.addi %add3A_36, %mul3A_2 : i32
    %add3A_38 = arith.constant 128 : i32
    %add3A_39 = arith.addi %add3A_37, %add3A_38 : i32
    %dma_start3A_40 = tpu.memref_slice %arg2[%add3A_39] : memref<640000xi32, #tpu.memory_space<hbm>> -> memref<128xi32, #tpu.memory_space<hbm>>
    %dma_start3A_41 = tpu.memref_slice %arg2[%add3A_39] : memref<640000xi32, #tpu.memory_space<hbm>> -> memref<128xi32, #tpu.memory_space<hbm>>
    tpu.enqueue_dma source(%dma_start3A_41 : memref<128xi32, #tpu.memory_space<hbm>>) target(%arg9 : memref<128xi32, #tpu.memory_space<vmem>>) target_semaphore(%arg18 : memref<!tpu.dma_semaphore, #tpu.memory_space<semaphore_mem>>)
    %add3A_42 = arith.constant 0 : i32
    %add3A_43 = arith.addi %mul3A_2, %add3A_42 : i32
    %dma_wait3A = tpu.memref_slice %arg2[%add3A_43] : memref<640000xi32, #tpu.memory_space<hbm>> -> memref<128xi32, #tpu.memory_space<hbm>>
    %dma_wait3A_44 = tpu.memref_slice %arg2[%add3A_43] : memref<640000xi32, #tpu.memory_space<hbm>> -> memref<128xi32, #tpu.memory_space<hbm>>
    tpu.wait_dma2 semaphore(%arg17 : memref<!tpu.dma_semaphore, #tpu.memory_space<semaphore_mem>>) src(%dma_wait3A_44 : memref<128xi32, #tpu.memory_space<hbm>>) dst(%arg6 : memref<128xi32, #tpu.memory_space<vmem>>)
    %add3A_45 = arith.constant 320000 : i32
    %add3A_46 = arith.addi %add3A_45, %mul3A_2 : i32
    %add3A_47 = arith.constant 0 : i32
    %add3A_48 = arith.addi %add3A_46, %add3A_47 : i32
    %dma_wait3A_49 = tpu.memref_slice %arg2[%add3A_48] : memref<640000xi32, #tpu.memory_space<hbm>> -> memref<128xi32, #tpu.memory_space<hbm>>
    %dma_wait3A_50 = tpu.memref_slice %arg2[%add3A_48] : memref<640000xi32, #tpu.memory_space<hbm>> -> memref<128xi32, #tpu.memory_space<hbm>>
    tpu.wait_dma2 semaphore(%arg17 : memref<!tpu.dma_semaphore, #tpu.memory_space<semaphore_mem>>) src(%dma_wait3A_50 : memref<128xi32, #tpu.memory_space<hbm>>) dst(%arg8 : memref<128xi32, #tpu.memory_space<vmem>>)
    %dma_start3A_51 = arith.constant 0 : i32
    %dma_start3A_52 = arith.constant 0 : i32
    %dma_start3A_53 = tpu.memref_slice %arg3[%dma_start3A_51, %dma_start3A_52] : memref<10000x128xf32, #tpu.memory_space<hbm>> -> memref<10000x128xf32, #tpu.memory_space<hbm>>
    tpu.enqueue_indirect_dma source(%dma_start3A_53 : memref<10000x128xf32, #tpu.memory_space<hbm>>) target(%arg10 : memref<128x128xf32, #tpu.memory_space<vmem>>) offsets(%arg6 : memref<128xi32, #tpu.memory_space<vmem>>) semaphore(%arg15 : memref<!tpu.dma_semaphore, #tpu.memory_space<semaphore_mem>>)
    %add3A_54 = arith.constant 128 : i32
    %add3A_55 = arith.addi %mul3A_2, %add3A_54 : i32
    %dma_wait3A_56 = tpu.memref_slice %arg2[%add3A_55] : memref<640000xi32, #tpu.memory_space<hbm>> -> memref<128xi32, #tpu.memory_space<hbm>>
    %dma_wait3A_57 = tpu.memref_slice %arg2[%add3A_55] : memref<640000xi32, #tpu.memory_space<hbm>> -> memref<128xi32, #tpu.memory_space<hbm>>
    tpu.wait_dma2 semaphore(%arg18 : memref<!tpu.dma_semaphore, #tpu.memory_space<semaphore_mem>>) src(%dma_wait3A_57 : memref<128xi32, #tpu.memory_space<hbm>>) dst(%arg7 : memref<128xi32, #tpu.memory_space<vmem>>)
    %add3A_58 = arith.constant 320000 : i32
    %add3A_59 = arith.addi %add3A_58, %mul3A_2 : i32
    %add3A_60 = arith.constant 128 : i32
    %add3A_61 = arith.addi %add3A_59, %add3A_60 : i32
    %dma_wait3A_62 = tpu.memref_slice %arg2[%add3A_61] : memref<640000xi32, #tpu.memory_space<hbm>> -> memref<128xi32, #tpu.memory_space<hbm>>
    %dma_wait3A_63 = tpu.memref_slice %arg2[%add3A_61] : memref<640000xi32, #tpu.memory_space<hbm>> -> memref<128xi32, #tpu.memory_space<hbm>>
    tpu.wait_dma2 semaphore(%arg18 : memref<!tpu.dma_semaphore, #tpu.memory_space<semaphore_mem>>) src(%dma_wait3A_63 : memref<128xi32, #tpu.memory_space<hbm>>) dst(%arg9 : memref<128xi32, #tpu.memory_space<vmem>>)
    %scan3A_64 = arith.constant 0 : i32
    %scan3A_65 = arith.constant 0 : i32
    %scan3A_66 = arith.constant 39 : i32
    %scan3A_67 = arith.addi %scan3A_65, %scan3A_66 : i32
    %scan3A_68 = arith.constant 1 : i32
    scf.for %scan3A_170 = %scan3A_65 to %scan3A_67 step %scan3A_68  : i32 {
      %mul3A_171 = arith.constant 2 : i32
      %mul3A_172 = arith.muli %mul3A_171, %scan3A_170 : i32
      %dma_start3A_173 = arith.constant 0 : i32
      %dma_start3A_174 = arith.constant 0 : i32
      %dma_start3A_175 = tpu.memref_slice %arg3[%dma_start3A_173, %dma_start3A_174] : memref<10000x128xf32, #tpu.memory_space<hbm>> -> memref<10000x128xf32, #tpu.memory_space<hbm>>
      tpu.enqueue_indirect_dma source(%dma_start3A_175 : memref<10000x128xf32, #tpu.memory_space<hbm>>) target(%arg11 : memref<128x128xf32, #tpu.memory_space<vmem>>) offsets(%arg7 : memref<128xi32, #tpu.memory_space<vmem>>) semaphore(%arg16 : memref<!tpu.dma_semaphore, #tpu.memory_space<semaphore_mem>>)
      %dma_wait3A_176 = arith.constant 0 : i32
      %dma_wait3A_177 = arith.constant 0 : i32
      %dma_wait3A_178 = tpu.memref_slice %arg3[%dma_wait3A_176, %dma_wait3A_177] : memref<10000x128xf32, #tpu.memory_space<hbm>> -> memref<10000x128xf32, #tpu.memory_space<hbm>>
      tpu.wait_indirect_dma semaphore(%arg15 : memref<!tpu.dma_semaphore, #tpu.memory_space<semaphore_mem>>) src(%dma_wait3A_178 : memref<10000x128xf32, #tpu.memory_space<hbm>>) dst(%arg10 : memref<128x128xf32, #tpu.memory_space<vmem>>)
      "tpu.region"() ({
        %run_scoped3A = tpu.sem_alloc : memref<!tpu.dma_semaphore, #tpu.memory_space<semaphore_mem>>
        %dma_start3A_193 = arith.constant 0 : i32
        %dma_start3A_194 = arith.constant 0 : i32
        %dma_start3A_195 = tpu.memref_slice %arg14[%dma_start3A_193, %dma_start3A_194] : memref<10112x128xf32, #tpu.memory_space<vmem_shared>> -> memref<10112x128xf32, #tpu.memory_space<vmem_shared>>
        tpu.enqueue_indirect_dma source(%arg10 : memref<128x128xf32, #tpu.memory_space<vmem>>) target(%dma_start3A_195 : memref<10112x128xf32, #tpu.memory_space<vmem_shared>>) offsets(%arg8 : memref<128xi32, #tpu.memory_space<vmem>>) semaphore(%run_scoped3A : memref<!tpu.dma_semaphore, #tpu.memory_space<semaphore_mem>>) {add = true}
        %dma_wait3A_196 = arith.constant 0 : i32
        %dma_wait3A_197 = arith.constant 0 : i32
        %dma_wait3A_198 = tpu.memref_slice %arg14[%dma_wait3A_196, %dma_wait3A_197] : memref<10112x128xf32, #tpu.memory_space<vmem_shared>> -> memref<10112x128xf32, #tpu.memory_space<vmem_shared>>
        tpu.wait_indirect_dma semaphore(%run_scoped3A : memref<!tpu.dma_semaphore, #tpu.memory_space<semaphore_mem>>) src(%arg10 : memref<128x128xf32, #tpu.memory_space<vmem>>) dst(%dma_wait3A_198 : memref<10112x128xf32, #tpu.memory_space<vmem_shared>>)
        tpu.yield
      }) : () -> ()
      %add3A_179 = arith.constant 1 : i32
      %add3A_180 = arith.addi %scan3A_170, %add3A_179 : i32
      %lt3A = arith.constant 39 : i32
      %lt3A_181 = arith.cmpi slt, %add3A_180, %lt3A : i32
      %convert_element_type3A = arith.extui %lt3A_181 : i1 to i32
      %cond3A = arith.constant 0 : i32
      %cond3A_182 = arith.cmpi ne, %convert_element_type3A, %cond3A : i32
      scf.if %cond3A_182 {
        %add3A_193 = arith.constant 2 : i32
        %add3A_194 = arith.addi %mul3A_172, %add3A_193 : i32
        %mul3A_195 = arith.constant 128 : i32
        %mul3A_196 = arith.muli %add3A_194, %mul3A_195 : i32
        %add3A_197 = arith.addi %mul3A_2, %mul3A_196 : i32
        %dma_start3A_198 = tpu.memref_slice %arg2[%add3A_197] : memref<640000xi32, #tpu.memory_space<hbm>> -> memref<128xi32, #tpu.memory_space<hbm>>
        %dma_start3A_199 = tpu.memref_slice %arg2[%add3A_197] : memref<640000xi32, #tpu.memory_space<hbm>> -> memref<128xi32, #tpu.memory_space<hbm>>
        tpu.enqueue_dma source(%dma_start3A_199 : memref<128xi32, #tpu.memory_space<hbm>>) target(%arg6 : memref<128xi32, #tpu.memory_space<vmem>>) target_semaphore(%arg17 : memref<!tpu.dma_semaphore, #tpu.memory_space<semaphore_mem>>)
        %add3A_200 = arith.constant 320000 : i32
        %add3A_201 = arith.addi %add3A_200, %mul3A_2 : i32
        %mul3A_202 = arith.constant 128 : i32
        %mul3A_203 = arith.muli %add3A_194, %mul3A_202 : i32
        %add3A_204 = arith.addi %add3A_201, %mul3A_203 : i32
        %dma_start3A_205 = tpu.memref_slice %arg2[%add3A_204] : memref<640000xi32, #tpu.memory_space<hbm>> -> memref<128xi32, #tpu.memory_space<hbm>>
        %dma_start3A_206 = tpu.memref_slice %arg2[%add3A_204] : memref<640000xi32, #tpu.memory_space<hbm>> -> memref<128xi32, #tpu.memory_space<hbm>>
        tpu.enqueue_dma source(%dma_start3A_206 : memref<128xi32, #tpu.memory_space<hbm>>) target(%arg8 : memref<128xi32, #tpu.memory_space<vmem>>) target_semaphore(%arg17 : memref<!tpu.dma_semaphore, #tpu.memory_space<semaphore_mem>>)
      } else {
      }
      %dma_wait3A_183 = arith.constant 0 : i32
      %dma_wait3A_184 = arith.constant 0 : i32
      %dma_wait3A_185 = tpu.memref_slice %arg3[%dma_wait3A_183, %dma_wait3A_184] : memref<10000x128xf32, #tpu.memory_space<hbm>> -> memref<10000x128xf32, #tpu.memory_space<hbm>>
      tpu.wait_indirect_dma semaphore(%arg16 : memref<!tpu.dma_semaphore, #tpu.memory_space<semaphore_mem>>) src(%dma_wait3A_185 : memref<10000x128xf32, #tpu.memory_space<hbm>>) dst(%arg11 : memref<128x128xf32, #tpu.memory_space<vmem>>)
      "tpu.region"() ({
        %run_scoped3A = tpu.sem_alloc : memref<!tpu.dma_semaphore, #tpu.memory_space<semaphore_mem>>
        %dma_start3A_193 = arith.constant 0 : i32
        %dma_start3A_194 = arith.constant 0 : i32
        %dma_start3A_195 = tpu.memref_slice %arg14[%dma_start3A_193, %dma_start3A_194] : memref<10112x128xf32, #tpu.memory_space<vmem_shared>> -> memref<10112x128xf32, #tpu.memory_space<vmem_shared>>
        tpu.enqueue_indirect_dma source(%arg11 : memref<128x128xf32, #tpu.memory_space<vmem>>) target(%dma_start3A_195 : memref<10112x128xf32, #tpu.memory_space<vmem_shared>>) offsets(%arg9 : memref<128xi32, #tpu.memory_space<vmem>>) semaphore(%run_scoped3A : memref<!tpu.dma_semaphore, #tpu.memory_space<semaphore_mem>>) {add = true}
        %dma_wait3A_196 = arith.constant 0 : i32
        %dma_wait3A_197 = arith.constant 0 : i32
        %dma_wait3A_198 = tpu.memref_slice %arg14[%dma_wait3A_196, %dma_wait3A_197] : memref<10112x128xf32, #tpu.memory_space<vmem_shared>> -> memref<10112x128xf32, #tpu.memory_space<vmem_shared>>
        tpu.wait_indirect_dma semaphore(%run_scoped3A : memref<!tpu.dma_semaphore, #tpu.memory_space<semaphore_mem>>) src(%arg11 : memref<128x128xf32, #tpu.memory_space<vmem>>) dst(%dma_wait3A_198 : memref<10112x128xf32, #tpu.memory_space<vmem_shared>>)
        tpu.yield
      }) : () -> ()
      %add3A_186 = arith.constant 1 : i32
      %add3A_187 = arith.addi %scan3A_170, %add3A_186 : i32
      %lt3A_188 = arith.constant 39 : i32
      %lt3A_189 = arith.cmpi slt, %add3A_187, %lt3A_188 : i32
      %convert_element_type3A_190 = arith.extui %lt3A_189 : i1 to i32
      %cond3A_191 = arith.constant 0 : i32
      %cond3A_192 = arith.cmpi ne, %convert_element_type3A_190, %cond3A_191 : i32
      scf.if %cond3A_192 {
        %add3A_193 = arith.constant 3 : i32
        %add3A_194 = arith.addi %mul3A_172, %add3A_193 : i32
        %mul3A_195 = arith.constant 128 : i32
        %mul3A_196 = arith.muli %add3A_194, %mul3A_195 : i32
        %add3A_197 = arith.addi %mul3A_2, %mul3A_196 : i32
        %dma_start3A_198 = tpu.memref_slice %arg2[%add3A_197] : memref<640000xi32, #tpu.memory_space<hbm>> -> memref<128xi32, #tpu.memory_space<hbm>>
        %dma_start3A_199 = tpu.memref_slice %arg2[%add3A_197] : memref<640000xi32, #tpu.memory_space<hbm>> -> memref<128xi32, #tpu.memory_space<hbm>>
        tpu.enqueue_dma source(%dma_start3A_199 : memref<128xi32, #tpu.memory_space<hbm>>) target(%arg7 : memref<128xi32, #tpu.memory_space<vmem>>) target_semaphore(%arg18 : memref<!tpu.dma_semaphore, #tpu.memory_space<semaphore_mem>>)
        %add3A_200 = arith.constant 320000 : i32
        %add3A_201 = arith.addi %add3A_200, %mul3A_2 : i32
        %mul3A_202 = arith.constant 128 : i32
        %mul3A_203 = arith.muli %add3A_194, %mul3A_202 : i32
        %add3A_204 = arith.addi %add3A_201, %mul3A_203 : i32
        %dma_start3A_205 = tpu.memref_slice %arg2[%add3A_204] : memref<640000xi32, #tpu.memory_space<hbm>> -> memref<128xi32, #tpu.memory_space<hbm>>
        %dma_start3A_206 = tpu.memref_slice %arg2[%add3A_204] : memref<640000xi32, #tpu.memory_space<hbm>> -> memref<128xi32, #tpu.memory_space<hbm>>
        tpu.enqueue_dma source(%dma_start3A_206 : memref<128xi32, #tpu.memory_space<hbm>>) target(%arg9 : memref<128xi32, #tpu.memory_space<vmem>>) target_semaphore(%arg18 : memref<!tpu.dma_semaphore, #tpu.memory_space<semaphore_mem>>)
        %add3A_207 = arith.constant 2 : i32
        %add3A_208 = arith.addi %mul3A_172, %add3A_207 : i32
        %mul3A_209 = arith.constant 128 : i32
        %mul3A_210 = arith.muli %add3A_208, %mul3A_209 : i32
        %add3A_211 = arith.addi %mul3A_2, %mul3A_210 : i32
        %dma_wait3A_212 = tpu.memref_slice %arg2[%add3A_211] : memref<640000xi32, #tpu.memory_space<hbm>> -> memref<128xi32, #tpu.memory_space<hbm>>
        %dma_wait3A_213 = tpu.memref_slice %arg2[%add3A_211] : memref<640000xi32, #tpu.memory_space<hbm>> -> memref<128xi32, #tpu.memory_space<hbm>>
        tpu.wait_dma2 semaphore(%arg17 : memref<!tpu.dma_semaphore, #tpu.memory_space<semaphore_mem>>) src(%dma_wait3A_213 : memref<128xi32, #tpu.memory_space<hbm>>) dst(%arg6 : memref<128xi32, #tpu.memory_space<vmem>>)
        %add3A_214 = arith.constant 320000 : i32
        %add3A_215 = arith.addi %add3A_214, %mul3A_2 : i32
        %mul3A_216 = arith.constant 128 : i32
        %mul3A_217 = arith.muli %add3A_208, %mul3A_216 : i32
        %add3A_218 = arith.addi %add3A_215, %mul3A_217 : i32
        %dma_wait3A_219 = tpu.memref_slice %arg2[%add3A_218] : memref<640000xi32, #tpu.memory_space<hbm>> -> memref<128xi32, #tpu.memory_space<hbm>>
        %dma_wait3A_220 = tpu.memref_slice %arg2[%add3A_218] : memref<640000xi32, #tpu.memory_space<hbm>> -> memref<128xi32, #tpu.memory_space<hbm>>
        tpu.wait_dma2 semaphore(%arg17 : memref<!tpu.dma_semaphore, #tpu.memory_space<semaphore_mem>>) src(%dma_wait3A_220 : memref<128xi32, #tpu.memory_space<hbm>>) dst(%arg8 : memref<128xi32, #tpu.memory_space<vmem>>)
        %dma_start3A_221 = arith.constant 0 : i32
        %dma_start3A_222 = arith.constant 0 : i32
        %dma_start3A_223 = tpu.memref_slice %arg3[%dma_start3A_221, %dma_start3A_222] : memref<10000x128xf32, #tpu.memory_space<hbm>> -> memref<10000x128xf32, #tpu.memory_space<hbm>>
        tpu.enqueue_indirect_dma source(%dma_start3A_223 : memref<10000x128xf32, #tpu.memory_space<hbm>>) target(%arg10 : memref<128x128xf32, #tpu.memory_space<vmem>>) offsets(%arg6 : memref<128xi32, #tpu.memory_space<vmem>>) semaphore(%arg15 : memref<!tpu.dma_semaphore, #tpu.memory_space<semaphore_mem>>)
        %add3A_224 = arith.constant 3 : i32
        %add3A_225 = arith.addi %mul3A_172, %add3A_224 : i32
        %mul3A_226 = arith.constant 128 : i32
        %mul3A_227 = arith.muli %add3A_225, %mul3A_226 : i32
        %add3A_228 = arith.addi %mul3A_2, %mul3A_227 : i32
        %dma_wait3A_229 = tpu.memref_slice %arg2[%add3A_228] : memref<640000xi32, #tpu.memory_space<hbm>> -> memref<128xi32, #tpu.memory_space<hbm>>
        %dma_wait3A_230 = tpu.memref_slice %arg2[%add3A_228] : memref<640000xi32, #tpu.memory_space<hbm>> -> memref<128xi32, #tpu.memory_space<hbm>>
        tpu.wait_dma2 semaphore(%arg18 : memref<!tpu.dma_semaphore, #tpu.memory_space<semaphore_mem>>) src(%dma_wait3A_230 : memref<128xi32, #tpu.memory_space<hbm>>) dst(%arg7 : memref<128xi32, #tpu.memory_space<vmem>>)
        %add3A_231 = arith.constant 320000 : i32
        %add3A_232 = arith.addi %add3A_231, %mul3A_2 : i32
        %mul3A_233 = arith.constant 128 : i32
        %mul3A_234 = arith.muli %add3A_225, %mul3A_233 : i32
        %add3A_235 = arith.addi %add3A_232, %mul3A_234 : i32
        %dma_wait3A_236 = tpu.memref_slice %arg2[%add3A_235] : memref<640000xi32, #tpu.memory_space<hbm>> -> memref<128xi32, #tpu.memory_space<hbm>>
        %dma_wait3A_237 = tpu.memref_slice %arg2[%add3A_235] : memref<640000xi32, #tpu.memory_space<hbm>> -> memref<128xi32, #tpu.memory_space<hbm>>
        tpu.wait_dma2 semaphore(%arg18 : memref<!tpu.dma_semaphore, #tpu.memory_space<semaphore_mem>>) src(%dma_wait3A_237 : memref<128xi32, #tpu.memory_space<hbm>>) dst(%arg9 : memref<128xi32, #tpu.memory_space<vmem>>)
      } else {
      }
    }
    %scan3A_69 = arith.constant 39 : i32
    %add3A_70 = arith.constant 9984 : i32
    %add3A_71 = arith.addi %mul3A_2, %add3A_70 : i32
    "tpu.region"() ({
      %run_scoped3A = tpu.sem_alloc : memref<!tpu.dma_semaphore, #tpu.memory_space<semaphore_mem>>
      %dma_start3A_170 = tpu.memref_slice %arg2[%add3A_71] : memref<640000xi32, #tpu.memory_space<hbm>> -> memref<16xi32, #tpu.memory_space<hbm>>
      %dma_start3A_171 = tpu.memref_slice %arg2[%add3A_71] : memref<640000xi32, #tpu.memory_space<hbm>> -> memref<16xi32, #tpu.memory_space<hbm>>
      tpu.enqueue_dma source(%dma_start3A_171 : memref<16xi32, #tpu.memory_space<hbm>>) target(%arg12 : memref<16xi32, #tpu.memory_space<vmem>>) target_semaphore(%run_scoped3A : memref<!tpu.dma_semaphore, #tpu.memory_space<semaphore_mem>>)
      %dma_wait3A_172 = tpu.memref_slice %arg2[%add3A_71] : memref<640000xi32, #tpu.memory_space<hbm>> -> memref<16xi32, #tpu.memory_space<hbm>>
      %dma_wait3A_173 = tpu.memref_slice %arg2[%add3A_71] : memref<640000xi32, #tpu.memory_space<hbm>> -> memref<16xi32, #tpu.memory_space<hbm>>
      tpu.wait_dma2 semaphore(%run_scoped3A : memref<!tpu.dma_semaphore, #tpu.memory_space<semaphore_mem>>) src(%dma_wait3A_173 : memref<16xi32, #tpu.memory_space<hbm>>) dst(%arg12 : memref<16xi32, #tpu.memory_space<vmem>>)
      tpu.yield
    }) : () -> ()
    %add3A_72 = arith.constant 320000 : i32
    %add3A_73 = arith.addi %add3A_72, %add3A_71 : i32
    "tpu.region"() ({
      %run_scoped3A = tpu.sem_alloc : memref<!tpu.dma_semaphore, #tpu.memory_space<semaphore_mem>>
      %dma_start3A_170 = tpu.memref_slice %arg2[%add3A_73] : memref<640000xi32, #tpu.memory_space<hbm>> -> memref<16xi32, #tpu.memory_space<hbm>>
      %dma_start3A_171 = tpu.memref_slice %arg2[%add3A_73] : memref<640000xi32, #tpu.memory_space<hbm>> -> memref<16xi32, #tpu.memory_space<hbm>>
      tpu.enqueue_dma source(%dma_start3A_171 : memref<16xi32, #tpu.memory_space<hbm>>) target(%arg13 : memref<16xi32, #tpu.memory_space<vmem>>) target_semaphore(%run_scoped3A : memref<!tpu.dma_semaphore, #tpu.memory_space<semaphore_mem>>)
      %dma_wait3A_172 = tpu.memref_slice %arg2[%add3A_73] : memref<640000xi32, #tpu.memory_space<hbm>> -> memref<16xi32, #tpu.memory_space<hbm>>
      %dma_wait3A_173 = tpu.memref_slice %arg2[%add3A_73] : memref<640000xi32, #tpu.memory_space<hbm>> -> memref<16xi32, #tpu.memory_space<hbm>>
      tpu.wait_dma2 semaphore(%run_scoped3A : memref<!tpu.dma_semaphore, #tpu.memory_space<semaphore_mem>>) src(%dma_wait3A_173 : memref<16xi32, #tpu.memory_space<hbm>>) dst(%arg13 : memref<16xi32, #tpu.memory_space<vmem>>)
      tpu.yield
    }) : () -> ()
    %dma_start3A_74 = arith.constant 0 : i32
    %dma_start3A_75 = arith.constant 0 : i32
    %dma_start3A_76 = tpu.memref_slice %arg10[%dma_start3A_74, %dma_start3A_75] : memref<128x128xf32, #tpu.memory_space<vmem>> -> memref<16x128xf32, #tpu.memory_space<vmem>>
    %dma_start3A_77 = arith.constant 0 : i32
    %dma_start3A_78 = arith.constant 0 : i32
    %dma_start3A_79 = tpu.memref_slice %arg3[%dma_start3A_77, %dma_start3A_78] : memref<10000x128xf32, #tpu.memory_space<hbm>> -> memref<10000x128xf32, #tpu.memory_space<hbm>>
    tpu.enqueue_indirect_dma source(%dma_start3A_79 : memref<10000x128xf32, #tpu.memory_space<hbm>>) target(%dma_start3A_76 : memref<16x128xf32, #tpu.memory_space<vmem>>) offsets(%arg12 : memref<16xi32, #tpu.memory_space<vmem>>) semaphore(%arg15 : memref<!tpu.dma_semaphore, #tpu.memory_space<semaphore_mem>>)
    %dma_wait3A_80 = arith.constant 0 : i32
    %dma_wait3A_81 = arith.constant 0 : i32
    %dma_wait3A_82 = tpu.memref_slice %arg10[%dma_wait3A_80, %dma_wait3A_81] : memref<128x128xf32, #tpu.memory_space<vmem>> -> memref<16x128xf32, #tpu.memory_space<vmem>>
    %dma_wait3A_83 = arith.constant 0 : i32
    %dma_wait3A_84 = arith.constant 0 : i32
    %dma_wait3A_85 = tpu.memref_slice %arg3[%dma_wait3A_83, %dma_wait3A_84] : memref<10000x128xf32, #tpu.memory_space<hbm>> -> memref<10000x128xf32, #tpu.memory_space<hbm>>
    tpu.wait_indirect_dma semaphore(%arg15 : memref<!tpu.dma_semaphore, #tpu.memory_space<semaphore_mem>>) src(%dma_wait3A_85 : memref<10000x128xf32, #tpu.memory_space<hbm>>) dst(%dma_wait3A_82 : memref<16x128xf32, #tpu.memory_space<vmem>>)
    "tpu.region"() ({
      %run_scoped3A = tpu.sem_alloc : memref<!tpu.dma_semaphore, #tpu.memory_space<semaphore_mem>>
      %dma_start3A_170 = arith.constant 0 : i32
      %dma_start3A_171 = arith.constant 0 : i32
      %dma_start3A_172 = tpu.memref_slice %arg10[%dma_start3A_170, %dma_start3A_171] : memref<128x128xf32, #tpu.memory_space<vmem>> -> memref<16x128xf32, #tpu.memory_space<vmem>>
      %dma_start3A_173 = arith.constant 0 : i32
      %dma_start3A_174 = arith.constant 0 : i32
      %dma_start3A_175 = tpu.memref_slice %arg14[%dma_start3A_173, %dma_start3A_174] : memref<10112x128xf32, #tpu.memory_space<vmem_shared>> -> memref<10112x128xf32, #tpu.memory_space<vmem_shared>>
      tpu.enqueue_indirect_dma source(%dma_start3A_172 : memref<16x128xf32, #tpu.memory_space<vmem>>) target(%dma_start3A_175 : memref<10112x128xf32, #tpu.memory_space<vmem_shared>>) offsets(%arg13 : memref<16xi32, #tpu.memory_space<vmem>>) semaphore(%run_scoped3A : memref<!tpu.dma_semaphore, #tpu.memory_space<semaphore_mem>>) {add = true}
      %dma_wait3A_176 = arith.constant 0 : i32
      %dma_wait3A_177 = arith.constant 0 : i32
      %dma_wait3A_178 = tpu.memref_slice %arg10[%dma_wait3A_176, %dma_wait3A_177] : memref<128x128xf32, #tpu.memory_space<vmem>> -> memref<16x128xf32, #tpu.memory_space<vmem>>
      %dma_wait3A_179 = arith.constant 0 : i32
      %dma_wait3A_180 = arith.constant 0 : i32
      %dma_wait3A_181 = tpu.memref_slice %arg14[%dma_wait3A_179, %dma_wait3A_180] : memref<10112x128xf32, #tpu.memory_space<vmem_shared>> -> memref<10112x128xf32, #tpu.memory_space<vmem_shared>>
      tpu.wait_indirect_dma semaphore(%run_scoped3A : memref<!tpu.dma_semaphore, #tpu.memory_space<semaphore_mem>>) src(%dma_wait3A_178 : memref<16x128xf32, #tpu.memory_space<vmem>>) dst(%dma_wait3A_181 : memref<10112x128xf32, #tpu.memory_space<vmem_shared>>)
      tpu.yield
    }) : () -> ()
    %add3A_86 = arith.constant 320000 : i32
    %add3A_87 = arith.addi %add3A_86, %mul3A_2 : i32
    %add3A_88 = arith.constant 0 : i32
    %add3A_89 = arith.addi %add3A_87, %add3A_88 : i32
    %dma_start3A_90 = tpu.memref_slice %arg2[%add3A_89] : memref<640000xi32, #tpu.memory_space<hbm>> -> memref<128xi32, #tpu.memory_space<hbm>>
    %dma_start3A_91 = tpu.memref_slice %arg2[%add3A_89] : memref<640000xi32, #tpu.memory_space<hbm>> -> memref<128xi32, #tpu.memory_space<hbm>>
    tpu.enqueue_dma source(%dma_start3A_91 : memref<128xi32, #tpu.memory_space<hbm>>) target(%arg8 : memref<128xi32, #tpu.memory_space<vmem>>) target_semaphore(%arg17 : memref<!tpu.dma_semaphore, #tpu.memory_space<semaphore_mem>>)
    %add3A_92 = arith.constant 320000 : i32
    %add3A_93 = arith.addi %add3A_92, %mul3A_2 : i32
    %add3A_94 = arith.constant 128 : i32
    %add3A_95 = arith.addi %add3A_93, %add3A_94 : i32
    %dma_start3A_96 = tpu.memref_slice %arg2[%add3A_95] : memref<640000xi32, #tpu.memory_space<hbm>> -> memref<128xi32, #tpu.memory_space<hbm>>
    %dma_start3A_97 = tpu.memref_slice %arg2[%add3A_95] : memref<640000xi32, #tpu.memory_space<hbm>> -> memref<128xi32, #tpu.memory_space<hbm>>
    tpu.enqueue_dma source(%dma_start3A_97 : memref<128xi32, #tpu.memory_space<hbm>>) target(%arg9 : memref<128xi32, #tpu.memory_space<vmem>>) target_semaphore(%arg18 : memref<!tpu.dma_semaphore, #tpu.memory_space<semaphore_mem>>)
    %scan3A_98 = arith.constant 0 : i32
    %scan3A_99 = arith.constant 0 : i32
    %scan3A_100 = arith.constant 128 : i32
    %scan3A_101 = arith.addi %scan3A_99, %scan3A_100 : i32
    %scan3A_102 = arith.constant 1 : i32
    scf.for %scan3A_170 = %scan3A_99 to %scan3A_101 step %scan3A_102  : i32 {
      %swap3A = arith.index_cast %scan3A_170 : i32 to index
      %swap3A_171 = arith.constant 0 : index
      %swap3A_172 = tpu.vector_load %arg10[%swap3A, %swap3A_171] {strides = array<i32>} : memref<128x128xf32, #tpu.memory_space<vmem>>, vector<1x16xf32>,
      %swap3A_173 = vector.shape_cast %swap3A_172 : vector<1x16xf32> to vector<16xf32>
      %swap3A_174 = vector.shape_cast %broadcast_in_dim3A_7 : vector<16xf32> to vector<1x16xf32>
      tpu.vector_store %arg10[%swap3A, %swap3A_171], %swap3A_174 {strides = array<i32>} : memref<128x128xf32, #tpu.memory_space<vmem>>, vector<1x16xf32>,
      %swap3A_175 = arith.index_cast %scan3A_170 : i32 to index
      %swap3A_176 = arith.constant 16 : index
      %swap3A_177 = tpu.vector_load %arg10[%swap3A_175, %swap3A_176] {strides = array<i32>} : memref<128x128xf32, #tpu.memory_space<vmem>>, vector<1x16xf32>,
      %swap3A_178 = vector.shape_cast %swap3A_177 : vector<1x16xf32> to vector<16xf32>
      %swap3A_179 = vector.shape_cast %broadcast_in_dim3A_7 : vector<16xf32> to vector<1x16xf32>
      tpu.vector_store %arg10[%swap3A_175, %swap3A_176], %swap3A_179 {strides = array<i32>} : memref<128x128xf32, #tpu.memory_space<vmem>>, vector<1x16xf32>,
      %swap3A_180 = arith.index_cast %scan3A_170 : i32 to index
      %swap3A_181 = arith.constant 32 : index
      %swap3A_182 = tpu.vector_load %arg10[%swap3A_180, %swap3A_181] {strides = array<i32>} : memref<128x128xf32, #tpu.memory_space<vmem>>, vector<1x16xf32>,
      %swap3A_183 = vector.shape_cast %swap3A_182 : vector<1x16xf32> to vector<16xf32>
      %swap3A_184 = vector.shape_cast %broadcast_in_dim3A_7 : vector<16xf32> to vector<1x16xf32>
      tpu.vector_store %arg10[%swap3A_180, %swap3A_181], %swap3A_184 {strides = array<i32>} : memref<128x128xf32, #tpu.memory_space<vmem>>, vector<1x16xf32>,
      %swap3A_185 = arith.index_cast %scan3A_170 : i32 to index
      %swap3A_186 = arith.constant 48 : index
      %swap3A_187 = tpu.vector_load %arg10[%swap3A_185, %swap3A_186] {strides = array<i32>} : memref<128x128xf32, #tpu.memory_space<vmem>>, vector<1x16xf32>,
      %swap3A_188 = vector.shape_cast %swap3A_187 : vector<1x16xf32> to vector<16xf32>
      %swap3A_189 = vector.shape_cast %broadcast_in_dim3A_7 : vector<16xf32> to vector<1x16xf32>
      tpu.vector_store %arg10[%swap3A_185, %swap3A_186], %swap3A_189 {strides = array<i32>} : memref<128x128xf32, #tpu.memory_space<vmem>>, vector<1x16xf32>,
      %swap3A_190 = arith.index_cast %scan3A_170 : i32 to index
      %swap3A_191 = arith.constant 64 : index
      %swap3A_192 = tpu.vector_load %arg10[%swap3A_190, %swap3A_191] {strides = array<i32>} : memref<128x128xf32, #tpu.memory_space<vmem>>, vector<1x16xf32>,
      %swap3A_193 = vector.shape_cast %swap3A_192 : vector<1x16xf32> to vector<16xf32>
      %swap3A_194 = vector.shape_cast %broadcast_in_dim3A_7 : vector<16xf32> to vector<1x16xf32>
      tpu.vector_store %arg10[%swap3A_190, %swap3A_191], %swap3A_194 {strides = array<i32>} : memref<128x128xf32, #tpu.memory_space<vmem>>, vector<1x16xf32>,
      %swap3A_195 = arith.index_cast %scan3A_170 : i32 to index
      %swap3A_196 = arith.constant 80 : index
      %swap3A_197 = tpu.vector_load %arg10[%swap3A_195, %swap3A_196] {strides = array<i32>} : memref<128x128xf32, #tpu.memory_space<vmem>>, vector<1x16xf32>,
      %swap3A_198 = vector.shape_cast %swap3A_197 : vector<1x16xf32> to vector<16xf32>
      %swap3A_199 = vector.shape_cast %broadcast_in_dim3A_7 : vector<16xf32> to vector<1x16xf32>
      tpu.vector_store %arg10[%swap3A_195, %swap3A_196], %swap3A_199 {strides = array<i32>} : memref<128x128xf32, #tpu.memory_space<vmem>>, vector<1x16xf32>,
      %swap3A_200 = arith.index_cast %scan3A_170 : i32 to index
      %swap3A_201 = arith.constant 96 : index
      %swap3A_202 = tpu.vector_load %arg10[%swap3A_200, %swap3A_201] {strides = array<i32>} : memref<128x128xf32, #tpu.memory_space<vmem>>, vector<1x16xf32>,
      %swap3A_203 = vector.shape_cast %swap3A_202 : vector<1x16xf32> to vector<16xf32>
      %swap3A_204 = vector.shape_cast %broadcast_in_dim3A_7 : vector<16xf32> to vector<1x16xf32>
      tpu.vector_store %arg10[%swap3A_200, %swap3A_201], %swap3A_204 {strides = array<i32>} : memref<128x128xf32, #tpu.memory_space<vmem>>, vector<1x16xf32>,
      %swap3A_205 = arith.index_cast %scan3A_170 : i32 to index
      %swap3A_206 = arith.constant 112 : index
      %swap3A_207 = tpu.vector_load %arg10[%swap3A_205, %swap3A_206] {strides = array<i32>} : memref<128x128xf32, #tpu.memory_space<vmem>>, vector<1x16xf32>,
      %swap3A_208 = vector.shape_cast %swap3A_207 : vector<1x16xf32> to vector<16xf32>
      %swap3A_209 = vector.shape_cast %broadcast_in_dim3A_7 : vector<16xf32> to vector<1x16xf32>
      tpu.vector_store %arg10[%swap3A_205, %swap3A_206], %swap3A_209 {strides = array<i32>} : memref<128x128xf32, #tpu.memory_space<vmem>>, vector<1x16xf32>,
    }
    %scan3A_103 = arith.constant 128 : i32
    %barrier3A_104 = arith.constant 0 : index
    tpu.barrier barrier_id(%barrier3A_104)
    %add3A_105 = arith.constant 0 : i32
    %add3A_106 = arith.addi %mul3A_4, %add3A_105 : i32
    "tpu.region"() ({
      %run_scoped3A = tpu.sem_alloc : memref<!tpu.dma_semaphore, #tpu.memory_space<semaphore_mem>>
      %dma_start3A_170 = arith.constant 0 : i32
      %dma_start3A_171 = tpu.memref_slice %arg14[%add3A_106, %dma_start3A_170] : memref<10112x128xf32, #tpu.memory_space<vmem_shared>> -> memref<128x128xf32, #tpu.memory_space<vmem_shared>>
      %dma_start3A_172 = arith.constant 0 : i32
      %dma_start3A_173 = tpu.memref_slice %arg14[%add3A_106, %dma_start3A_172] : memref<10112x128xf32, #tpu.memory_space<vmem_shared>> -> memref<128x128xf32, #tpu.memory_space<vmem_shared>>
      tpu.enqueue_dma source(%dma_start3A_173 : memref<128x128xf32, #tpu.memory_space<vmem_shared>>) target(%arg11 : memref<128x128xf32, #tpu.memory_space<vmem>>) target_semaphore(%run_scoped3A : memref<!tpu.dma_semaphore, #tpu.memory_space<semaphore_mem>>)
      %dma_wait3A_174 = arith.constant 0 : i32
      %dma_wait3A_175 = tpu.memref_slice %arg14[%add3A_106, %dma_wait3A_174] : memref<10112x128xf32, #tpu.memory_space<vmem_shared>> -> memref<128x128xf32, #tpu.memory_space<vmem_shared>>
      %dma_wait3A_176 = arith.constant 0 : i32
      %dma_wait3A_177 = tpu.memref_slice %arg14[%add3A_106, %dma_wait3A_176] : memref<10112x128xf32, #tpu.memory_space<vmem_shared>> -> memref<128x128xf32, #tpu.memory_space<vmem_shared>>
      tpu.wait_dma2 semaphore(%run_scoped3A : memref<!tpu.dma_semaphore, #tpu.memory_space<semaphore_mem>>) src(%dma_wait3A_177 : memref<128x128xf32, #tpu.memory_space<vmem_shared>>) dst(%arg11 : memref<128x128xf32, #tpu.memory_space<vmem>>)
      tpu.yield
    }) : () -> ()
    %add3A_107 = arith.constant 0 : i32
    %add3A_108 = arith.addi %mul3A_4, %add3A_107 : i32
    "tpu.region"() ({
      %run_scoped3A = tpu.sem_alloc : memref<!tpu.dma_semaphore, #tpu.memory_space<semaphore_mem>>
      %dma_start3A_170 = arith.constant 0 : i32
      %dma_start3A_171 = arith.constant 0 : i32
      %dma_start3A_172 = tpu.memref_slice %arg4[%arg0, %dma_start3A_170, %dma_start3A_171] : memref<2x10112x128xf32, #tpu.memory_space<hbm>> -> memref<1x10112x128xf32, #tpu.memory_space<hbm>>
      %dma_start3A_173 = tpu.memref_squeeze %dma_start3A_172 : memref<1x10112x128xf32, #tpu.memory_space<hbm>> -> memref<10112x128xf32, #tpu.memory_space<hbm>>
      %dma_start3A_174 = arith.constant 0 : i32
      %dma_start3A_175 = tpu.memref_slice %dma_start3A_173[%add3A_108, %dma_start3A_174] : memref<10112x128xf32, #tpu.memory_space<hbm>> -> memref<128x128xf32, #tpu.memory_space<hbm>>
      %dma_start3A_176 = arith.constant 0 : i32
      %dma_start3A_177 = arith.constant 0 : i32
      %dma_start3A_178 = tpu.memref_slice %arg4[%arg0, %dma_start3A_176, %dma_start3A_177] : memref<2x10112x128xf32, #tpu.memory_space<hbm>> -> memref<1x10112x128xf32, #tpu.memory_space<hbm>>
      %dma_start3A_179 = tpu.memref_squeeze %dma_start3A_178 : memref<1x10112x128xf32, #tpu.memory_space<hbm>> -> memref<10112x128xf32, #tpu.memory_space<hbm>>
      %dma_start3A_180 = arith.constant 0 : i32
      %dma_start3A_181 = tpu.memref_slice %dma_start3A_179[%add3A_108, %dma_start3A_180] : memref<10112x128xf32, #tpu.memory_space<hbm>> -> memref<128x128xf32, #tpu.memory_space<hbm>>
      tpu.enqueue_dma source(%arg11 : memref<128x128xf32, #tpu.memory_space<vmem>>) target(%dma_start3A_181 : memref<128x128xf32, #tpu.memory_space<hbm>>) target_semaphore(%run_scoped3A : memref<!tpu.dma_semaphore, #tpu.memory_space<semaphore_mem>>)
      %dma_wait3A_182 = arith.constant 0 : i32
      %dma_wait3A_183 = arith.constant 0 : i32
      %dma_wait3A_184 = tpu.memref_slice %arg4[%arg0, %dma_wait3A_182, %dma_wait3A_183] : memref<2x10112x128xf32, #tpu.memory_space<hbm>> -> memref<1x10112x128xf32, #tpu.memory_space<hbm>>
      %dma_wait3A_185 = tpu.memref_squeeze %dma_wait3A_184 : memref<1x10112x128xf32, #tpu.memory_space<hbm>> -> memref<10112x128xf32, #tpu.memory_space<hbm>>
      %dma_wait3A_186 = arith.constant 0 : i32
      %dma_wait3A_187 = tpu.memref_slice %dma_wait3A_185[%add3A_108, %dma_wait3A_186] : memref<10112x128xf32, #tpu.memory_space<hbm>> -> memref<128x128xf32, #tpu.memory_space<hbm>>
      %dma_wait3A_188 = arith.constant 0 : i32
      %dma_wait3A_189 = arith.constant 0 : i32
      %dma_wait3A_190 = tpu.memref_slice %arg4[%arg0, %dma_wait3A_188, %dma_wait3A_189] : memref<2x10112x128xf32, #tpu.memory_space<hbm>> -> memref<1x10112x128xf32, #tpu.memory_space<hbm>>
      %dma_wait3A_191 = tpu.memref_squeeze %dma_wait3A_190 : memref<1x10112x128xf32, #tpu.memory_space<hbm>> -> memref<10112x128xf32, #tpu.memory_space<hbm>>
      %dma_wait3A_192 = arith.constant 0 : i32
      %dma_wait3A_193 = tpu.memref_slice %dma_wait3A_191[%add3A_108, %dma_wait3A_192] : memref<10112x128xf32, #tpu.memory_space<hbm>> -> memref<128x128xf32, #tpu.memory_space<hbm>>
      tpu.wait_dma2 semaphore(%run_scoped3A : memref<!tpu.dma_semaphore, #tpu.memory_space<semaphore_mem>>) src(%arg11 : memref<128x128xf32, #tpu.memory_space<vmem>>) dst(%dma_wait3A_193 : memref<128x128xf32, #tpu.memory_space<hbm>>)
      tpu.yield
    }) : () -> ()
    %add3A_109 = arith.constant 128 : i32
    %add3A_110 = arith.addi %mul3A_4, %add3A_109 : i32
    "tpu.region"() ({
      %run_scoped3A = tpu.sem_alloc : memref<!tpu.dma_semaphore, #tpu.memory_space<semaphore_mem>>
      %dma_start3A_170 = arith.constant 0 : i32
      %dma_start3A_171 = tpu.memref_slice %arg14[%add3A_110, %dma_start3A_170] : memref<10112x128xf32, #tpu.memory_space<vmem_shared>> -> memref<128x128xf32, #tpu.memory_space<vmem_shared>>
      %dma_start3A_172 = arith.constant 0 : i32
      %dma_start3A_173 = tpu.memref_slice %arg14[%add3A_110, %dma_start3A_172] : memref<10112x128xf32, #tpu.memory_space<vmem_shared>> -> memref<128x128xf32, #tpu.memory_space<vmem_shared>>
      tpu.enqueue_dma source(%dma_start3A_173 : memref<128x128xf32, #tpu.memory_space<vmem_shared>>) target(%arg11 : memref<128x128xf32, #tpu.memory_space<vmem>>) target_semaphore(%run_scoped3A : memref<!tpu.dma_semaphore, #tpu.memory_space<semaphore_mem>>)
      %dma_wait3A_174 = arith.constant 0 : i32
      %dma_wait3A_175 = tpu.memref_slice %arg14[%add3A_110, %dma_wait3A_174] : memref<10112x128xf32, #tpu.memory_space<vmem_shared>> -> memref<128x128xf32, #tpu.memory_space<vmem_shared>>
      %dma_wait3A_176 = arith.constant 0 : i32
      %dma_wait3A_177 = tpu.memref_slice %arg14[%add3A_110, %dma_wait3A_176] : memref<10112x128xf32, #tpu.memory_space<vmem_shared>> -> memref<128x128xf32, #tpu.memory_space<vmem_shared>>
      tpu.wait_dma2 semaphore(%run_scoped3A : memref<!tpu.dma_semaphore, #tpu.memory_space<semaphore_mem>>) src(%dma_wait3A_177 : memref<128x128xf32, #tpu.memory_space<vmem_shared>>) dst(%arg11 : memref<128x128xf32, #tpu.memory_space<vmem>>)
      tpu.yield
    }) : () -> ()
    %add3A_111 = arith.constant 128 : i32
    %add3A_112 = arith.addi %mul3A_4, %add3A_111 : i32
    "tpu.region"() ({
      %run_scoped3A = tpu.sem_alloc : memref<!tpu.dma_semaphore, #tpu.memory_space<semaphore_mem>>
      %dma_start3A_170 = arith.constant 0 : i32
      %dma_start3A_171 = arith.constant 0 : i32
      %dma_start3A_172 = tpu.memref_slice %arg4[%arg0, %dma_start3A_170, %dma_start3A_171] : memref<2x10112x128xf32, #tpu.memory_space<hbm>> -> memref<1x10112x128xf32, #tpu.memory_space<hbm>>
      %dma_start3A_173 = tpu.memref_squeeze %dma_start3A_172 : memref<1x10112x128xf32, #tpu.memory_space<hbm>> -> memref<10112x128xf32, #tpu.memory_space<hbm>>
      %dma_start3A_174 = arith.constant 0 : i32
      %dma_start3A_175 = tpu.memref_slice %dma_start3A_173[%add3A_112, %dma_start3A_174] : memref<10112x128xf32, #tpu.memory_space<hbm>> -> memref<128x128xf32, #tpu.memory_space<hbm>>
      %dma_start3A_176 = arith.constant 0 : i32
      %dma_start3A_177 = arith.constant 0 : i32
      %dma_start3A_178 = tpu.memref_slice %arg4[%arg0, %dma_start3A_176, %dma_start3A_177] : memref<2x10112x128xf32, #tpu.memory_space<hbm>> -> memref<1x10112x128xf32, #tpu.memory_space<hbm>>
      %dma_start3A_179 = tpu.memref_squeeze %dma_start3A_178 : memref<1x10112x128xf32, #tpu.memory_space<hbm>> -> memref<10112x128xf32, #tpu.memory_space<hbm>>
      %dma_start3A_180 = arith.constant 0 : i32
      %dma_start3A_181 = tpu.memref_slice %dma_start3A_179[%add3A_112, %dma_start3A_180] : memref<10112x128xf32, #tpu.memory_space<hbm>> -> memref<128x128xf32, #tpu.memory_space<hbm>>
      tpu.enqueue_dma source(%arg11 : memref<128x128xf32, #tpu.memory_space<vmem>>) target(%dma_start3A_181 : memref<128x128xf32, #tpu.memory_space<hbm>>) target_semaphore(%run_scoped3A : memref<!tpu.dma_semaphore, #tpu.memory_space<semaphore_mem>>)
      %dma_wait3A_182 = arith.constant 0 : i32
      %dma_wait3A_183 = arith.constant 0 : i32
      %dma_wait3A_184 = tpu.memref_slice %arg4[%arg0, %dma_wait3A_182, %dma_wait3A_183] : memref<2x10112x128xf32, #tpu.memory_space<hbm>> -> memref<1x10112x128xf32, #tpu.memory_space<hbm>>
      %dma_wait3A_185 = tpu.memref_squeeze %dma_wait3A_184 : memref<1x10112x128xf32, #tpu.memory_space<hbm>> -> memref<10112x128xf32, #tpu.memory_space<hbm>>
      %dma_wait3A_186 = arith.constant 0 : i32
      %dma_wait3A_187 = tpu.memref_slice %dma_wait3A_185[%add3A_112, %dma_wait3A_186] : memref<10112x128xf32, #tpu.memory_space<hbm>> -> memref<128x128xf32, #tpu.memory_space<hbm>>
      %dma_wait3A_188 = arith.constant 0 : i32
      %dma_wait3A_189 = arith.constant 0 : i32
      %dma_wait3A_190 = tpu.memref_slice %arg4[%arg0, %dma_wait3A_188, %dma_wait3A_189] : memref<2x10112x128xf32, #tpu.memory_space<hbm>> -> memref<1x10112x128xf32, #tpu.memory_space<hbm>>
      %dma_wait3A_191 = tpu.memref_squeeze %dma_wait3A_190 : memref<1x10112x128xf32, #tpu.memory_space<hbm>> -> memref<10112x128xf32, #tpu.memory_space<hbm>>
      %dma_wait3A_192 = arith.constant 0 : i32
      %dma_wait3A_193 = tpu.memref_slice %dma_wait3A_191[%add3A_112, %dma_wait3A_192] : memref<10112x128xf32, #tpu.memory_space<hbm>> -> memref<128x128xf32, #tpu.memory_space<hbm>>
      tpu.wait_dma2 semaphore(%run_scoped3A : memref<!tpu.dma_semaphore, #tpu.memory_space<semaphore_mem>>) src(%arg11 : memref<128x128xf32, #tpu.memory_space<vmem>>) dst(%dma_wait3A_193 : memref<128x128xf32, #tpu.memory_space<hbm>>)
      tpu.yield
    }) : () -> ()
    %add3A_113 = arith.constant 256 : i32
    %add3A_114 = arith.addi %mul3A_4, %add3A_113 : i32
    "tpu.region"() ({
      %run_scoped3A = tpu.sem_alloc : memref<!tpu.dma_semaphore, #tpu.memory_space<semaphore_mem>>
      %dma_start3A_170 = arith.constant 0 : i32
      %dma_start3A_171 = tpu.memref_slice %arg14[%add3A_114, %dma_start3A_170] : memref<10112x128xf32, #tpu.memory_space<vmem_shared>> -> memref<128x128xf32, #tpu.memory_space<vmem_shared>>
      %dma_start3A_172 = arith.constant 0 : i32
      %dma_start3A_173 = tpu.memref_slice %arg14[%add3A_114, %dma_start3A_172] : memref<10112x128xf32, #tpu.memory_space<vmem_shared>> -> memref<128x128xf32, #tpu.memory_space<vmem_shared>>
      tpu.enqueue_dma source(%dma_start3A_173 : memref<128x128xf32, #tpu.memory_space<vmem_shared>>) target(%arg11 : memref<128x128xf32, #tpu.memory_space<vmem>>) target_semaphore(%run_scoped3A : memref<!tpu.dma_semaphore, #tpu.memory_space<semaphore_mem>>)
      %dma_wait3A_174 = arith.constant 0 : i32
      %dma_wait3A_175 = tpu.memref_slice %arg14[%add3A_114, %dma_wait3A_174] : memref<10112x128xf32, #tpu.memory_space<vmem_shared>> -> memref<128x128xf32, #tpu.memory_space<vmem_shared>>
      %dma_wait3A_176 = arith.constant 0 : i32
      %dma_wait3A_177 = tpu.memref_slice %arg14[%add3A_114, %dma_wait3A_176] : memref<10112x128xf32, #tpu.memory_space<vmem_shared>> -> memref<128x128xf32, #tpu.memory_space<vmem_shared>>
      tpu.wait_dma2 semaphore(%run_scoped3A : memref<!tpu.dma_semaphore, #tpu.memory_space<semaphore_mem>>) src(%dma_wait3A_177 : memref<128x128xf32, #tpu.memory_space<vmem_shared>>) dst(%arg11 : memref<128x128xf32, #tpu.memory_space<vmem>>)
      tpu.yield
    }) : () -> ()
    %add3A_115 = arith.constant 256 : i32
    %add3A_116 = arith.addi %mul3A_4, %add3A_115 : i32
    "tpu.region"() ({
      %run_scoped3A = tpu.sem_alloc : memref<!tpu.dma_semaphore, #tpu.memory_space<semaphore_mem>>
      %dma_start3A_170 = arith.constant 0 : i32
      %dma_start3A_171 = arith.constant 0 : i32
      %dma_start3A_172 = tpu.memref_slice %arg4[%arg0, %dma_start3A_170, %dma_start3A_171] : memref<2x10112x128xf32, #tpu.memory_space<hbm>> -> memref<1x10112x128xf32, #tpu.memory_space<hbm>>
      %dma_start3A_173 = tpu.memref_squeeze %dma_start3A_172 : memref<1x10112x128xf32, #tpu.memory_space<hbm>> -> memref<10112x128xf32, #tpu.memory_space<hbm>>
      %dma_start3A_174 = arith.constant 0 : i32
      %dma_start3A_175 = tpu.memref_slice %dma_start3A_173[%add3A_116, %dma_start3A_174] : memref<10112x128xf32, #tpu.memory_space<hbm>> -> memref<128x128xf32, #tpu.memory_space<hbm>>
      %dma_start3A_176 = arith.constant 0 : i32
      %dma_start3A_177 = arith.constant 0 : i32
      %dma_start3A_178 = tpu.memref_slice %arg4[%arg0, %dma_start3A_176, %dma_start3A_177] : memref<2x10112x128xf32, #tpu.memory_space<hbm>> -> memref<1x10112x128xf32, #tpu.memory_space<hbm>>
      %dma_start3A_179 = tpu.memref_squeeze %dma_start3A_178 : memref<1x10112x128xf32, #tpu.memory_space<hbm>> -> memref<10112x128xf32, #tpu.memory_space<hbm>>
      %dma_start3A_180 = arith.constant 0 : i32
      %dma_start3A_181 = tpu.memref_slice %dma_start3A_179[%add3A_116, %dma_start3A_180] : memref<10112x128xf32, #tpu.memory_space<hbm>> -> memref<128x128xf32, #tpu.memory_space<hbm>>
      tpu.enqueue_dma source(%arg11 : memref<128x128xf32, #tpu.memory_space<vmem>>) target(%dma_start3A_181 : memref<128x128xf32, #tpu.memory_space<hbm>>) target_semaphore(%run_scoped3A : memref<!tpu.dma_semaphore, #tpu.memory_space<semaphore_mem>>)
      %dma_wait3A_182 = arith.constant 0 : i32
      %dma_wait3A_183 = arith.constant 0 : i32
      %dma_wait3A_184 = tpu.memref_slice %arg4[%arg0, %dma_wait3A_182, %dma_wait3A_183] : memref<2x10112x128xf32, #tpu.memory_space<hbm>> -> memref<1x10112x128xf32, #tpu.memory_space<hbm>>
      %dma_wait3A_185 = tpu.memref_squeeze %dma_wait3A_184 : memref<1x10112x128xf32, #tpu.memory_space<hbm>> -> memref<10112x128xf32, #tpu.memory_space<hbm>>
      %dma_wait3A_186 = arith.constant 0 : i32
      %dma_wait3A_187 = tpu.memref_slice %dma_wait3A_185[%add3A_116, %dma_wait3A_186] : memref<10112x128xf32, #tpu.memory_space<hbm>> -> memref<128x128xf32, #tpu.memory_space<hbm>>
      %dma_wait3A_188 = arith.constant 0 : i32
      %dma_wait3A_189 = arith.constant 0 : i32
      %dma_wait3A_190 = tpu.memref_slice %arg4[%arg0, %dma_wait3A_188, %dma_wait3A_189] : memref<2x10112x128xf32, #tpu.memory_space<hbm>> -> memref<1x10112x128xf32, #tpu.memory_space<hbm>>
      %dma_wait3A_191 = tpu.memref_squeeze %dma_wait3A_190 : memref<1x10112x128xf32, #tpu.memory_space<hbm>> -> memref<10112x128xf32, #tpu.memory_space<hbm>>
      %dma_wait3A_192 = arith.constant 0 : i32
      %dma_wait3A_193 = tpu.memref_slice %dma_wait3A_191[%add3A_116, %dma_wait3A_192] : memref<10112x128xf32, #tpu.memory_space<hbm>> -> memref<128x128xf32, #tpu.memory_space<hbm>>
      tpu.wait_dma2 semaphore(%run_scoped3A : memref<!tpu.dma_semaphore, #tpu.memory_space<semaphore_mem>>) src(%arg11 : memref<128x128xf32, #tpu.memory_space<vmem>>) dst(%dma_wait3A_193 : memref<128x128xf32, #tpu.memory_space<hbm>>)
      tpu.yield
    }) : () -> ()
    %add3A_117 = arith.constant 384 : i32
    %add3A_118 = arith.addi %mul3A_4, %add3A_117 : i32
    "tpu.region"() ({
      %run_scoped3A = tpu.sem_alloc : memref<!tpu.dma_semaphore, #tpu.memory_space<semaphore_mem>>
      %dma_start3A_170 = arith.constant 0 : i32
      %dma_start3A_171 = tpu.memref_slice %arg14[%add3A_118, %dma_start3A_170] : memref<10112x128xf32, #tpu.memory_space<vmem_shared>> -> memref<128x128xf32, #tpu.memory_space<vmem_shared>>
      %dma_start3A_172 = arith.constant 0 : i32
      %dma_start3A_173 = tpu.memref_slice %arg14[%add3A_118, %dma_start3A_172] : memref<10112x128xf32, #tpu.memory_space<vmem_shared>> -> memref<128x128xf32, #tpu.memory_space<vmem_shared>>
      tpu.enqueue_dma source(%dma_start3A_173 : memref<128x128xf32, #tpu.memory_space<vmem_shared>>) target(%arg11 : memref<128x128xf32, #tpu.memory_space<vmem>>) target_semaphore(%run_scoped3A : memref<!tpu.dma_semaphore, #tpu.memory_space<semaphore_mem>>)
      %dma_wait3A_174 = arith.constant 0 : i32
      %dma_wait3A_175 = tpu.memref_slice %arg14[%add3A_118, %dma_wait3A_174] : memref<10112x128xf32, #tpu.memory_space<vmem_shared>> -> memref<128x128xf32, #tpu.memory_space<vmem_shared>>
      %dma_wait3A_176 = arith.constant 0 : i32
      %dma_wait3A_177 = tpu.memref_slice %arg14[%add3A_118, %dma_wait3A_176] : memref<10112x128xf32, #tpu.memory_space<vmem_shared>> -> memref<128x128xf32, #tpu.memory_space<vmem_shared>>
      tpu.wait_dma2 semaphore(%run_scoped3A : memref<!tpu.dma_semaphore, #tpu.memory_space<semaphore_mem>>) src(%dma_wait3A_177 : memref<128x128xf32, #tpu.memory_space<vmem_shared>>) dst(%arg11 : memref<128x128xf32, #tpu.memory_space<vmem>>)
      tpu.yield
    }) : () -> ()
    %add3A_119 = arith.constant 384 : i32
    %add3A_120 = arith.addi %mul3A_4, %add3A_119 : i32
    "tpu.region"() ({
      %run_scoped3A = tpu.sem_alloc : memref<!tpu.dma_semaphore, #tpu.memory_space<semaphore_mem>>
      %dma_start3A_170 = arith.constant 0 : i32
      %dma_start3A_171 = arith.constant 0 : i32
      %dma_start3A_172 = tpu.memref_slice %arg4[%arg0, %dma_start3A_170, %dma_start3A_171] : memref<2x10112x128xf32, #tpu.memory_space<hbm>> -> memref<1x10112x128xf32, #tpu.memory_space<hbm>>
      %dma_start3A_173 = tpu.memref_squeeze %dma_start3A_172 : memref<1x10112x128xf32, #tpu.memory_space<hbm>> -> memref<10112x128xf32, #tpu.memory_space<hbm>>
      %dma_start3A_174 = arith.constant 0 : i32
      %dma_start3A_175 = tpu.memref_slice %dma_start3A_173[%add3A_120, %dma_start3A_174] : memref<10112x128xf32, #tpu.memory_space<hbm>> -> memref<128x128xf32, #tpu.memory_space<hbm>>
      %dma_start3A_176 = arith.constant 0 : i32
      %dma_start3A_177 = arith.constant 0 : i32
      %dma_start3A_178 = tpu.memref_slice %arg4[%arg0, %dma_start3A_176, %dma_start3A_177] : memref<2x10112x128xf32, #tpu.memory_space<hbm>> -> memref<1x10112x128xf32, #tpu.memory_space<hbm>>
      %dma_start3A_179 = tpu.memref_squeeze %dma_start3A_178 : memref<1x10112x128xf32, #tpu.memory_space<hbm>> -> memref<10112x128xf32, #tpu.memory_space<hbm>>
      %dma_start3A_180 = arith.constant 0 : i32
      %dma_start3A_181 = tpu.memref_slice %dma_start3A_179[%add3A_120, %dma_start3A_180] : memref<10112x128xf32, #tpu.memory_space<hbm>> -> memref<128x128xf32, #tpu.memory_space<hbm>>
      tpu.enqueue_dma source(%arg11 : memref<128x128xf32, #tpu.memory_space<vmem>>) target(%dma_start3A_181 : memref<128x128xf32, #tpu.memory_space<hbm>>) target_semaphore(%run_scoped3A : memref<!tpu.dma_semaphore, #tpu.memory_space<semaphore_mem>>)
      %dma_wait3A_182 = arith.constant 0 : i32
      %dma_wait3A_183 = arith.constant 0 : i32
      %dma_wait3A_184 = tpu.memref_slice %arg4[%arg0, %dma_wait3A_182, %dma_wait3A_183] : memref<2x10112x128xf32, #tpu.memory_space<hbm>> -> memref<1x10112x128xf32, #tpu.memory_space<hbm>>
      %dma_wait3A_185 = tpu.memref_squeeze %dma_wait3A_184 : memref<1x10112x128xf32, #tpu.memory_space<hbm>> -> memref<10112x128xf32, #tpu.memory_space<hbm>>
      %dma_wait3A_186 = arith.constant 0 : i32
      %dma_wait3A_187 = tpu.memref_slice %dma_wait3A_185[%add3A_120, %dma_wait3A_186] : memref<10112x128xf32, #tpu.memory_space<hbm>> -> memref<128x128xf32, #tpu.memory_space<hbm>>
      %dma_wait3A_188 = arith.constant 0 : i32
      %dma_wait3A_189 = arith.constant 0 : i32
      %dma_wait3A_190 = tpu.memref_slice %arg4[%arg0, %dma_wait3A_188, %dma_wait3A_189] : memref<2x10112x128xf32, #tpu.memory_space<hbm>> -> memref<1x10112x128xf32, #tpu.memory_space<hbm>>
      %dma_wait3A_191 = tpu.memref_squeeze %dma_wait3A_190 : memref<1x10112x128xf32, #tpu.memory_space<hbm>> -> memref<10112x128xf32, #tpu.memory_space<hbm>>
      %dma_wait3A_192 = arith.constant 0 : i32
      %dma_wait3A_193 = tpu.memref_slice %dma_wait3A_191[%add3A_120, %dma_wait3A_192] : memref<10112x128xf32, #tpu.memory_space<hbm>> -> memref<128x128xf32, #tpu.memory_space<hbm>>
      tpu.wait_dma2 semaphore(%run_scoped3A : memref<!tpu.dma_semaphore, #tpu.memory_space<semaphore_mem>>) src(%arg11 : memref<128x128xf32, #tpu.memory_space<vmem>>) dst(%dma_wait3A_193 : memref<128x128xf32, #tpu.memory_space<hbm>>)
      tpu.yield
    }) : () -> ()
    %add3A_121 = arith.constant 512 : i32
    %add3A_122 = arith.addi %mul3A_4, %add3A_121 : i32
    "tpu.region"() ({
      %run_scoped3A = tpu.sem_alloc : memref<!tpu.dma_semaphore, #tpu.memory_space<semaphore_mem>>
      %dma_start3A_170 = arith.constant 0 : i32
      %dma_start3A_171 = arith.constant 0 : i32
      %dma_start3A_172 = tpu.memref_slice %arg11[%dma_start3A_170, %dma_start3A_171] : memref<128x128xf32, #tpu.memory_space<vmem>> -> memref<120x128xf32, #tpu.memory_space<vmem>>
      %dma_start3A_173 = arith.constant 0 : i32
      %dma_start3A_174 = tpu.memref_slice %arg14[%add3A_122, %dma_start3A_173] : memref<10112x128xf32, #tpu.memory_space<vmem_shared>> -> memref<120x128xf32, #tpu.memory_space<vmem_shared>>
      %dma_start3A_175 = arith.constant 0 : i32
      %dma_start3A_176 = arith.constant 0 : i32
      %dma_start3A_177 = tpu.memref_slice %arg11[%dma_start3A_175, %dma_start3A_176] : memref<128x128xf32, #tpu.memory_space<vmem>> -> memref<120x128xf32, #tpu.memory_space<vmem>>
      %dma_start3A_178 = arith.constant 0 : i32
      %dma_start3A_179 = tpu.memref_slice %arg14[%add3A_122, %dma_start3A_178] : memref<10112x128xf32, #tpu.memory_space<vmem_shared>> -> memref<120x128xf32, #tpu.memory_space<vmem_shared>>
      tpu.enqueue_dma source(%dma_start3A_179 : memref<120x128xf32, #tpu.memory_space<vmem_shared>>) target(%dma_start3A_177 : memref<120x128xf32, #tpu.memory_space<vmem>>) target_semaphore(%run_scoped3A : memref<!tpu.dma_semaphore, #tpu.memory_space<semaphore_mem>>)
      %dma_wait3A_180 = arith.constant 0 : i32
      %dma_wait3A_181 = arith.constant 0 : i32
      %dma_wait3A_182 = tpu.memref_slice %arg11[%dma_wait3A_180, %dma_wait3A_181] : memref<128x128xf32, #tpu.memory_space<vmem>> -> memref<120x128xf32, #tpu.memory_space<vmem>>
      %dma_wait3A_183 = arith.constant 0 : i32
      %dma_wait3A_184 = tpu.memref_slice %arg14[%add3A_122, %dma_wait3A_183] : memref<10112x128xf32, #tpu.memory_space<vmem_shared>> -> memref<120x128xf32, #tpu.memory_space<vmem_shared>>
      %dma_wait3A_185 = arith.constant 0 : i32
      %dma_wait3A_186 = arith.constant 0 : i32
      %dma_wait3A_187 = tpu.memref_slice %arg11[%dma_wait3A_185, %dma_wait3A_186] : memref<128x128xf32, #tpu.memory_space<vmem>> -> memref<120x128xf32, #tpu.memory_space<vmem>>
      %dma_wait3A_188 = arith.constant 0 : i32
      %dma_wait3A_189 = tpu.memref_slice %arg14[%add3A_122, %dma_wait3A_188] : memref<10112x128xf32, #tpu.memory_space<vmem_shared>> -> memref<120x128xf32, #tpu.memory_space<vmem_shared>>
      tpu.wait_dma2 semaphore(%run_scoped3A : memref<!tpu.dma_semaphore, #tpu.memory_space<semaphore_mem>>) src(%dma_wait3A_189 : memref<120x128xf32, #tpu.memory_space<vmem_shared>>) dst(%dma_wait3A_187 : memref<120x128xf32, #tpu.memory_space<vmem>>)
      tpu.yield
    }) : () -> ()
    %add3A_123 = arith.constant 512 : i32
    %add3A_124 = arith.addi %mul3A_4, %add3A_123 : i32
    "tpu.region"() ({
      %run_scoped3A = tpu.sem_alloc : memref<!tpu.dma_semaphore, #tpu.memory_space<semaphore_mem>>
      %dma_start3A_170 = arith.constant 0 : i32
      %dma_start3A_171 = arith.constant 0 : i32
      %dma_start3A_172 = tpu.memref_slice %arg11[%dma_start3A_170, %dma_start3A_171] : memref<128x128xf32, #tpu.memory_space<vmem>> -> memref<120x128xf32, #tpu.memory_space<vmem>>
      %dma_start3A_173 = arith.constant 0 : i32
      %dma_start3A_174 = arith.constant 0 : i32
      %dma_start3A_175 = tpu.memref_slice %arg4[%arg0, %dma_start3A_173, %dma_start3A_174] : memref<2x10112x128xf32, #tpu.memory_space<hbm>> -> memref<1x10112x128xf32, #tpu.memory_space<hbm>>
      %dma_start3A_176 = tpu.memref_squeeze %dma_start3A_175 : memref<1x10112x128xf32, #tpu.memory_space<hbm>> -> memref<10112x128xf32, #tpu.memory_space<hbm>>
      %dma_start3A_177 = arith.constant 0 : i32
      %dma_start3A_178 = tpu.memref_slice %dma_start3A_176[%add3A_124, %dma_start3A_177] : memref<10112x128xf32, #tpu.memory_space<hbm>> -> memref<120x128xf32, #tpu.memory_space<hbm>>
      %dma_start3A_179 = arith.constant 0 : i32
      %dma_start3A_180 = arith.constant 0 : i32
      %dma_start3A_181 = tpu.memref_slice %arg4[%arg0, %dma_start3A_179, %dma_start3A_180] : memref<2x10112x128xf32, #tpu.memory_space<hbm>> -> memref<1x10112x128xf32, #tpu.memory_space<hbm>>
      %dma_start3A_182 = tpu.memref_squeeze %dma_start3A_181 : memref<1x10112x128xf32, #tpu.memory_space<hbm>> -> memref<10112x128xf32, #tpu.memory_space<hbm>>
      %dma_start3A_183 = arith.constant 0 : i32
      %dma_start3A_184 = tpu.memref_slice %dma_start3A_182[%add3A_124, %dma_start3A_183] : memref<10112x128xf32, #tpu.memory_space<hbm>> -> memref<120x128xf32, #tpu.memory_space<hbm>>
      %dma_start3A_185 = arith.constant 0 : i32
      %dma_start3A_186 = arith.constant 0 : i32
      %dma_start3A_187 = tpu.memref_slice %arg11[%dma_start3A_185, %dma_start3A_186] : memref<128x128xf32, #tpu.memory_space<vmem>> -> memref<120x128xf32, #tpu.memory_space<vmem>>
      tpu.enqueue_dma source(%dma_start3A_187 : memref<120x128xf32, #tpu.memory_space<vmem>>) target(%dma_start3A_184 : memref<120x128xf32, #tpu.memory_space<hbm>>) target_semaphore(%run_scoped3A : memref<!tpu.dma_semaphore, #tpu.memory_space<semaphore_mem>>)
      %dma_wait3A_188 = arith.constant 0 : i32
      %dma_wait3A_189 = arith.constant 0 : i32
      %dma_wait3A_190 = tpu.memref_slice %arg11[%dma_wait3A_188, %dma_wait3A_189] : memref<128x128xf32, #tpu.memory_space<vmem>> -> memref<120x128xf32, #tpu.memory_space<vmem>>
      %dma_wait3A_191 = arith.constant 0 : i32
      %dma_wait3A_192 = arith.constant 0 : i32
      %dma_wait3A_193 = tpu.memref_slice %arg4[%arg0, %dma_wait3A_191, %dma_wait3A_192] : memref<2x10112x128xf32, #tpu.memory_space<hbm>> -> memref<1x10112x128xf32, #tpu.memory_space<hbm>>
      %dma_wait3A_194 = tpu.memref_squeeze %dma_wait3A_193 : memref<1x10112x128xf32, #tpu.memory_space<hbm>> -> memref<10112x128xf32, #tpu.memory_space<hbm>>
      %dma_wait3A_195 = arith.constant 0 : i32
      %dma_wait3A_196 = tpu.memref_slice %dma_wait3A_194[%add3A_124, %dma_wait3A_195] : memref<10112x128xf32, #tpu.memory_space<hbm>> -> memref<120x128xf32, #tpu.memory_space<hbm>>
      %dma_wait3A_197 = arith.constant 0 : i32
      %dma_wait3A_198 = arith.constant 0 : i32
      %dma_wait3A_199 = tpu.memref_slice %arg4[%arg0, %dma_wait3A_197, %dma_wait3A_198] : memref<2x10112x128xf32, #tpu.memory_space<hbm>> -> memref<1x10112x128xf32, #tpu.memory_space<hbm>>
      %dma_wait3A_200 = tpu.memref_squeeze %dma_wait3A_199 : memref<1x10112x128xf32, #tpu.memory_space<hbm>> -> memref<10112x128xf32, #tpu.memory_space<hbm>>
      %dma_wait3A_201 = arith.constant 0 : i32
      %dma_wait3A_202 = tpu.memref_slice %dma_wait3A_200[%add3A_124, %dma_wait3A_201] : memref<10112x128xf32, #tpu.memory_space<hbm>> -> memref<120x128xf32, #tpu.memory_space<hbm>>
      %dma_wait3A_203 = arith.constant 0 : i32
      %dma_wait3A_204 = arith.constant 0 : i32
      %dma_wait3A_205 = tpu.memref_slice %arg11[%dma_wait3A_203, %dma_wait3A_204] : memref<128x128xf32, #tpu.memory_space<vmem>> -> memref<120x128xf32, #tpu.memory_space<vmem>>
      tpu.wait_dma2 semaphore(%run_scoped3A : memref<!tpu.dma_semaphore, #tpu.memory_space<semaphore_mem>>) src(%dma_wait3A_205 : memref<120x128xf32, #tpu.memory_space<vmem>>) dst(%dma_wait3A_202 : memref<120x128xf32, #tpu.memory_space<hbm>>)
      tpu.yield
    }) : () -> ()
    %barrier3A_125 = arith.constant 0 : index
    tpu.barrier barrier_id(%barrier3A_125)
    %add3A_126 = arith.constant 320000 : i32
    %add3A_127 = arith.addi %add3A_126, %mul3A_2 : i32
    %add3A_128 = arith.constant 0 : i32
    %add3A_129 = arith.addi %add3A_127, %add3A_128 : i32
    %dma_wait3A_130 = tpu.memref_slice %arg2[%add3A_129] : memref<640000xi32, #tpu.memory_space<hbm>> -> memref<128xi32, #tpu.memory_space<hbm>>
    %dma_wait3A_131 = tpu.memref_slice %arg2[%add3A_129] : memref<640000xi32, #tpu.memory_space<hbm>> -> memref<128xi32, #tpu.memory_space<hbm>>
    tpu.wait_dma2 semaphore(%arg17 : memref<!tpu.dma_semaphore, #tpu.memory_space<semaphore_mem>>) src(%dma_wait3A_131 : memref<128xi32, #tpu.memory_space<hbm>>) dst(%arg8 : memref<128xi32, #tpu.memory_space<vmem>>)
    %dma_start3A_132 = arith.constant 0 : i32
    %dma_start3A_133 = arith.constant 0 : i32
    %dma_start3A_134 = tpu.memref_slice %arg14[%dma_start3A_132, %dma_start3A_133] : memref<10112x128xf32, #tpu.memory_space<vmem_shared>> -> memref<10112x128xf32, #tpu.memory_space<vmem_shared>>
    tpu.enqueue_indirect_dma source(%arg10 : memref<128x128xf32, #tpu.memory_space<vmem>>) target(%dma_start3A_134 : memref<10112x128xf32, #tpu.memory_space<vmem_shared>>) offsets(%arg8 : memref<128xi32, #tpu.memory_space<vmem>>) semaphore(%arg15 : memref<!tpu.dma_semaphore, #tpu.memory_space<semaphore_mem>>) {add = true}
    %add3A_135 = arith.constant 320000 : i32
    %add3A_136 = arith.addi %add3A_135, %mul3A_2 : i32
    %add3A_137 = arith.constant 128 : i32
    %add3A_138 = arith.addi %add3A_136, %add3A_137 : i32
    %dma_wait3A_139 = tpu.memref_slice %arg2[%add3A_138] : memref<640000xi32, #tpu.memory_space<hbm>> -> memref<128xi32, #tpu.memory_space<hbm>>
    %dma_wait3A_140 = tpu.memref_slice %arg2[%add3A_138] : memref<640000xi32, #tpu.memory_space<hbm>> -> memref<128xi32, #tpu.memory_space<hbm>>
    tpu.wait_dma2 semaphore(%arg18 : memref<!tpu.dma_semaphore, #tpu.memory_space<semaphore_mem>>) src(%dma_wait3A_140 : memref<128xi32, #tpu.memory_space<hbm>>) dst(%arg9 : memref<128xi32, #tpu.memory_space<vmem>>)
    %scan3A_141 = arith.constant 0 : i32
    %scan3A_142 = arith.constant 0 : i32
    %scan3A_143 = arith.constant 39 : i32
    %scan3A_144 = arith.addi %scan3A_142, %scan3A_143 : i32
    %scan3A_145 = arith.constant 1 : i32
    scf.for %scan3A_170 = %scan3A_142 to %scan3A_144 step %scan3A_145  : i32 {
      %mul3A_171 = arith.constant 2 : i32
      %mul3A_172 = arith.muli %mul3A_171, %scan3A_170 : i32
      %dma_start3A_173 = arith.constant 0 : i32
      %dma_start3A_174 = arith.constant 0 : i32
      %dma_start3A_175 = tpu.memref_slice %arg14[%dma_start3A_173, %dma_start3A_174] : memref<10112x128xf32, #tpu.memory_space<vmem_shared>> -> memref<10112x128xf32, #tpu.memory_space<vmem_shared>>
      tpu.enqueue_indirect_dma source(%arg10 : memref<128x128xf32, #tpu.memory_space<vmem>>) target(%dma_start3A_175 : memref<10112x128xf32, #tpu.memory_space<vmem_shared>>) offsets(%arg9 : memref<128xi32, #tpu.memory_space<vmem>>) semaphore(%arg16 : memref<!tpu.dma_semaphore, #tpu.memory_space<semaphore_mem>>) {add = true}
      %dma_wait3A_176 = arith.constant 0 : i32
      %dma_wait3A_177 = arith.constant 0 : i32
      %dma_wait3A_178 = tpu.memref_slice %arg14[%dma_wait3A_176, %dma_wait3A_177] : memref<10112x128xf32, #tpu.memory_space<vmem_shared>> -> memref<10112x128xf32, #tpu.memory_space<vmem_shared>>
      tpu.wait_indirect_dma semaphore(%arg15 : memref<!tpu.dma_semaphore, #tpu.memory_space<semaphore_mem>>) src(%arg10 : memref<128x128xf32, #tpu.memory_space<vmem>>) dst(%dma_wait3A_178 : memref<10112x128xf32, #tpu.memory_space<vmem_shared>>)
      %add3A_179 = arith.constant 1 : i32
      %add3A_180 = arith.addi %scan3A_170, %add3A_179 : i32
      %lt3A = arith.constant 39 : i32
      %lt3A_181 = arith.cmpi slt, %add3A_180, %lt3A : i32
      %convert_element_type3A = arith.extui %lt3A_181 : i1 to i32
      %cond3A = arith.constant 0 : i32
      %cond3A_182 = arith.cmpi ne, %convert_element_type3A, %cond3A : i32
      scf.if %cond3A_182 {
        %add3A_193 = arith.constant 2 : i32
        %add3A_194 = arith.addi %mul3A_172, %add3A_193 : i32
        %add3A_195 = arith.constant 320000 : i32
        %add3A_196 = arith.addi %add3A_195, %mul3A_2 : i32
        %mul3A_197 = arith.constant 128 : i32
        %mul3A_198 = arith.muli %add3A_194, %mul3A_197 : i32
        %add3A_199 = arith.addi %add3A_196, %mul3A_198 : i32
        %dma_start3A_200 = tpu.memref_slice %arg2[%add3A_199] : memref<640000xi32, #tpu.memory_space<hbm>> -> memref<128xi32, #tpu.memory_space<hbm>>
        %dma_start3A_201 = tpu.memref_slice %arg2[%add3A_199] : memref<640000xi32, #tpu.memory_space<hbm>> -> memref<128xi32, #tpu.memory_space<hbm>>
        tpu.enqueue_dma source(%dma_start3A_201 : memref<128xi32, #tpu.memory_space<hbm>>) target(%arg8 : memref<128xi32, #tpu.memory_space<vmem>>) target_semaphore(%arg17 : memref<!tpu.dma_semaphore, #tpu.memory_space<semaphore_mem>>)
      } else {
      }
      %dma_wait3A_183 = arith.constant 0 : i32
      %dma_wait3A_184 = arith.constant 0 : i32
      %dma_wait3A_185 = tpu.memref_slice %arg14[%dma_wait3A_183, %dma_wait3A_184] : memref<10112x128xf32, #tpu.memory_space<vmem_shared>> -> memref<10112x128xf32, #tpu.memory_space<vmem_shared>>
      tpu.wait_indirect_dma semaphore(%arg16 : memref<!tpu.dma_semaphore, #tpu.memory_space<semaphore_mem>>) src(%arg10 : memref<128x128xf32, #tpu.memory_space<vmem>>) dst(%dma_wait3A_185 : memref<10112x128xf32, #tpu.memory_space<vmem_shared>>)
      %add3A_186 = arith.constant 1 : i32
      %add3A_187 = arith.addi %scan3A_170, %add3A_186 : i32
      %lt3A_188 = arith.constant 39 : i32
      %lt3A_189 = arith.cmpi slt, %add3A_187, %lt3A_188 : i32
      %convert_element_type3A_190 = arith.extui %lt3A_189 : i1 to i32
      %cond3A_191 = arith.constant 0 : i32
      %cond3A_192 = arith.cmpi ne, %convert_element_type3A_190, %cond3A_191 : i32
      scf.if %cond3A_192 {
        %add3A_193 = arith.constant 3 : i32
        %add3A_194 = arith.addi %mul3A_172, %add3A_193 : i32
        %add3A_195 = arith.constant 320000 : i32
        %add3A_196 = arith.addi %add3A_195, %mul3A_2 : i32
        %mul3A_197 = arith.constant 128 : i32
        %mul3A_198 = arith.muli %add3A_194, %mul3A_197 : i32
        %add3A_199 = arith.addi %add3A_196, %mul3A_198 : i32
        %dma_start3A_200 = tpu.memref_slice %arg2[%add3A_199] : memref<640000xi32, #tpu.memory_space<hbm>> -> memref<128xi32, #tpu.memory_space<hbm>>
        %dma_start3A_201 = tpu.memref_slice %arg2[%add3A_199] : memref<640000xi32, #tpu.memory_space<hbm>> -> memref<128xi32, #tpu.memory_space<hbm>>
        tpu.enqueue_dma source(%dma_start3A_201 : memref<128xi32, #tpu.memory_space<hbm>>) target(%arg9 : memref<128xi32, #tpu.memory_space<vmem>>) target_semaphore(%arg18 : memref<!tpu.dma_semaphore, #tpu.memory_space<semaphore_mem>>)
        %add3A_202 = arith.constant 2 : i32
        %add3A_203 = arith.addi %mul3A_172, %add3A_202 : i32
        %add3A_204 = arith.constant 320000 : i32
        %add3A_205 = arith.addi %add3A_204, %mul3A_2 : i32
        %mul3A_206 = arith.constant 128 : i32
        %mul3A_207 = arith.muli %add3A_203, %mul3A_206 : i32
        %add3A_208 = arith.addi %add3A_205, %mul3A_207 : i32
        %dma_wait3A_209 = tpu.memref_slice %arg2[%add3A_208] : memref<640000xi32, #tpu.memory_space<hbm>> -> memref<128xi32, #tpu.memory_space<hbm>>
        %dma_wait3A_210 = tpu.memref_slice %arg2[%add3A_208] : memref<640000xi32, #tpu.memory_space<hbm>> -> memref<128xi32, #tpu.memory_space<hbm>>
        tpu.wait_dma2 semaphore(%arg17 : memref<!tpu.dma_semaphore, #tpu.memory_space<semaphore_mem>>) src(%dma_wait3A_210 : memref<128xi32, #tpu.memory_space<hbm>>) dst(%arg8 : memref<128xi32, #tpu.memory_space<vmem>>)
        %dma_start3A_211 = arith.constant 0 : i32
        %dma_start3A_212 = arith.constant 0 : i32
        %dma_start3A_213 = tpu.memref_slice %arg14[%dma_start3A_211, %dma_start3A_212] : memref<10112x128xf32, #tpu.memory_space<vmem_shared>> -> memref<10112x128xf32, #tpu.memory_space<vmem_shared>>
        tpu.enqueue_indirect_dma source(%arg10 : memref<128x128xf32, #tpu.memory_space<vmem>>) target(%dma_start3A_213 : memref<10112x128xf32, #tpu.memory_space<vmem_shared>>) offsets(%arg8 : memref<128xi32, #tpu.memory_space<vmem>>) semaphore(%arg15 : memref<!tpu.dma_semaphore, #tpu.memory_space<semaphore_mem>>) {add = true}
        %add3A_214 = arith.constant 3 : i32
        %add3A_215 = arith.addi %mul3A_172, %add3A_214 : i32
        %add3A_216 = arith.constant 320000 : i32
        %add3A_217 = arith.addi %add3A_216, %mul3A_2 : i32
        %mul3A_218 = arith.constant 128 : i32
        %mul3A_219 = arith.muli %add3A_215, %mul3A_218 : i32
        %add3A_220 = arith.addi %add3A_217, %mul3A_219 : i32
        %dma_wait3A_221 = tpu.memref_slice %arg2[%add3A_220] : memref<640000xi32, #tpu.memory_space<hbm>> -> memref<128xi32, #tpu.memory_space<hbm>>
        %dma_wait3A_222 = tpu.memref_slice %arg2[%add3A_220] : memref<640000xi32, #tpu.memory_space<hbm>> -> memref<128xi32, #tpu.memory_space<hbm>>
        tpu.wait_dma2 semaphore(%arg18 : memref<!tpu.dma_semaphore, #tpu.memory_space<semaphore_mem>>) src(%dma_wait3A_222 : memref<128xi32, #tpu.memory_space<hbm>>) dst(%arg9 : memref<128xi32, #tpu.memory_space<vmem>>)
      } else {
      }
    }
    %scan3A_146 = arith.constant 39 : i32
    %add3A_147 = arith.constant 320000 : i32
    %add3A_148 = arith.addi %add3A_147, %add3A_71 : i32
    "tpu.region"() ({
      %run_scoped3A = tpu.sem_alloc : memref<!tpu.dma_semaphore, #tpu.memory_space<semaphore_mem>>
      %dma_start3A_170 = tpu.memref_slice %arg2[%add3A_148] : memref<640000xi32, #tpu.memory_space<hbm>> -> memref<16xi32, #tpu.memory_space<hbm>>
      %dma_start3A_171 = tpu.memref_slice %arg2[%add3A_148] : memref<640000xi32, #tpu.memory_space<hbm>> -> memref<16xi32, #tpu.memory_space<hbm>>
      tpu.enqueue_dma source(%dma_start3A_171 : memref<16xi32, #tpu.memory_space<hbm>>) target(%arg13 : memref<16xi32, #tpu.memory_space<vmem>>) target_semaphore(%run_scoped3A : memref<!tpu.dma_semaphore, #tpu.memory_space<semaphore_mem>>)
      %dma_wait3A_172 = tpu.memref_slice %arg2[%add3A_148] : memref<640000xi32, #tpu.memory_space<hbm>> -> memref<16xi32, #tpu.memory_space<hbm>>
      %dma_wait3A_173 = tpu.memref_slice %arg2[%add3A_148] : memref<640000xi32, #tpu.memory_space<hbm>> -> memref<16xi32, #tpu.memory_space<hbm>>
      tpu.wait_dma2 semaphore(%run_scoped3A : memref<!tpu.dma_semaphore, #tpu.memory_space<semaphore_mem>>) src(%dma_wait3A_173 : memref<16xi32, #tpu.memory_space<hbm>>) dst(%arg13 : memref<16xi32, #tpu.memory_space<vmem>>)
      tpu.yield
    }) : () -> ()
    "tpu.region"() ({
      %run_scoped3A = tpu.sem_alloc : memref<!tpu.dma_semaphore, #tpu.memory_space<semaphore_mem>>
      %dma_start3A_170 = arith.constant 0 : i32
      %dma_start3A_171 = arith.constant 0 : i32
      %dma_start3A_172 = tpu.memref_slice %arg10[%dma_start3A_170, %dma_start3A_171] : memref<128x128xf32, #tpu.memory_space<vmem>> -> memref<16x128xf32, #tpu.memory_space<vmem>>
      %dma_start3A_173 = arith.constant 0 : i32
      %dma_start3A_174 = arith.constant 0 : i32
      %dma_start3A_175 = tpu.memref_slice %arg14[%dma_start3A_173, %dma_start3A_174] : memref<10112x128xf32, #tpu.memory_space<vmem_shared>> -> memref<10112x128xf32, #tpu.memory_space<vmem_shared>>
      tpu.enqueue_indirect_dma source(%dma_start3A_172 : memref<16x128xf32, #tpu.memory_space<vmem>>) target(%dma_start3A_175 : memref<10112x128xf32, #tpu.memory_space<vmem_shared>>) offsets(%arg13 : memref<16xi32, #tpu.memory_space<vmem>>) semaphore(%run_scoped3A : memref<!tpu.dma_semaphore, #tpu.memory_space<semaphore_mem>>) {add = true}
      %dma_wait3A_176 = arith.constant 0 : i32
      %dma_wait3A_177 = arith.constant 0 : i32
      %dma_wait3A_178 = tpu.memref_slice %arg10[%dma_wait3A_176, %dma_wait3A_177] : memref<128x128xf32, #tpu.memory_space<vmem>> -> memref<16x128xf32, #tpu.memory_space<vmem>>
      %dma_wait3A_179 = arith.constant 0 : i32
      %dma_wait3A_180 = arith.constant 0 : i32
      %dma_wait3A_181 = tpu.memref_slice %arg14[%dma_wait3A_179, %dma_wait3A_180] : memref<10112x128xf32, #tpu.memory_space<vmem_shared>> -> memref<10112x128xf32, #tpu.memory_space<vmem_shared>>
      tpu.wait_indirect_dma semaphore(%run_scoped3A : memref<!tpu.dma_semaphore, #tpu.memory_space<semaphore_mem>>) src(%dma_wait3A_178 : memref<16x128xf32, #tpu.memory_space<vmem>>) dst(%dma_wait3A_181 : memref<10112x128xf32, #tpu.memory_space<vmem_shared>>)
      tpu.yield
    }) : () -> ()
    %barrier3A_149 = arith.constant 0 : index
    tpu.barrier barrier_id(%barrier3A_149)
    %add3A_150 = arith.constant 0 : i32
    %add3A_151 = arith.addi %mul3A_4, %add3A_150 : i32
    "tpu.region"() ({
      %run_scoped3A = tpu.sem_alloc : memref<!tpu.dma_semaphore, #tpu.memory_space<semaphore_mem>>
      %dma_start3A_170 = arith.constant 0 : i32
      %dma_start3A_171 = tpu.memref_slice %arg14[%add3A_151, %dma_start3A_170] : memref<10112x128xf32, #tpu.memory_space<vmem_shared>> -> memref<128x128xf32, #tpu.memory_space<vmem_shared>>
      %dma_start3A_172 = arith.constant 0 : i32
      %dma_start3A_173 = tpu.memref_slice %arg14[%add3A_151, %dma_start3A_172] : memref<10112x128xf32, #tpu.memory_space<vmem_shared>> -> memref<128x128xf32, #tpu.memory_space<vmem_shared>>
      tpu.enqueue_dma source(%dma_start3A_173 : memref<128x128xf32, #tpu.memory_space<vmem_shared>>) target(%arg11 : memref<128x128xf32, #tpu.memory_space<vmem>>) target_semaphore(%run_scoped3A : memref<!tpu.dma_semaphore, #tpu.memory_space<semaphore_mem>>)
      %dma_wait3A_174 = arith.constant 0 : i32
      %dma_wait3A_175 = tpu.memref_slice %arg14[%add3A_151, %dma_wait3A_174] : memref<10112x128xf32, #tpu.memory_space<vmem_shared>> -> memref<128x128xf32, #tpu.memory_space<vmem_shared>>
      %dma_wait3A_176 = arith.constant 0 : i32
      %dma_wait3A_177 = tpu.memref_slice %arg14[%add3A_151, %dma_wait3A_176] : memref<10112x128xf32, #tpu.memory_space<vmem_shared>> -> memref<128x128xf32, #tpu.memory_space<vmem_shared>>
      tpu.wait_dma2 semaphore(%run_scoped3A : memref<!tpu.dma_semaphore, #tpu.memory_space<semaphore_mem>>) src(%dma_wait3A_177 : memref<128x128xf32, #tpu.memory_space<vmem_shared>>) dst(%arg11 : memref<128x128xf32, #tpu.memory_space<vmem>>)
      tpu.yield
    }) : () -> ()
    %add3A_152 = arith.constant 0 : i32
    %add3A_153 = arith.addi %mul3A_4, %add3A_152 : i32
    "tpu.region"() ({
      %run_scoped3A = tpu.sem_alloc : memref<!tpu.dma_semaphore, #tpu.memory_space<semaphore_mem>>
      %dma_start3A_170 = arith.constant 0 : i32
      %dma_start3A_171 = arith.constant 0 : i32
      %dma_start3A_172 = tpu.memref_slice %arg5[%arg0, %dma_start3A_170, %dma_start3A_171] : memref<2x10112x128xf32, #tpu.memory_space<hbm>> -> memref<1x10112x128xf32, #tpu.memory_space<hbm>>
      %dma_start3A_173 = tpu.memref_squeeze %dma_start3A_172 : memref<1x10112x128xf32, #tpu.memory_space<hbm>> -> memref<10112x128xf32, #tpu.memory_space<hbm>>
      %dma_start3A_174 = arith.constant 0 : i32
      %dma_start3A_175 = tpu.memref_slice %dma_start3A_173[%add3A_153, %dma_start3A_174] : memref<10112x128xf32, #tpu.memory_space<hbm>> -> memref<128x128xf32, #tpu.memory_space<hbm>>
      %dma_start3A_176 = arith.constant 0 : i32
      %dma_start3A_177 = arith.constant 0 : i32
      %dma_start3A_178 = tpu.memref_slice %arg5[%arg0, %dma_start3A_176, %dma_start3A_177] : memref<2x10112x128xf32, #tpu.memory_space<hbm>> -> memref<1x10112x128xf32, #tpu.memory_space<hbm>>
      %dma_start3A_179 = tpu.memref_squeeze %dma_start3A_178 : memref<1x10112x128xf32, #tpu.memory_space<hbm>> -> memref<10112x128xf32, #tpu.memory_space<hbm>>
      %dma_start3A_180 = arith.constant 0 : i32
      %dma_start3A_181 = tpu.memref_slice %dma_start3A_179[%add3A_153, %dma_start3A_180] : memref<10112x128xf32, #tpu.memory_space<hbm>> -> memref<128x128xf32, #tpu.memory_space<hbm>>
      tpu.enqueue_dma source(%arg11 : memref<128x128xf32, #tpu.memory_space<vmem>>) target(%dma_start3A_181 : memref<128x128xf32, #tpu.memory_space<hbm>>) target_semaphore(%run_scoped3A : memref<!tpu.dma_semaphore, #tpu.memory_space<semaphore_mem>>)
      %dma_wait3A_182 = arith.constant 0 : i32
      %dma_wait3A_183 = arith.constant 0 : i32
      %dma_wait3A_184 = tpu.memref_slice %arg5[%arg0, %dma_wait3A_182, %dma_wait3A_183] : memref<2x10112x128xf32, #tpu.memory_space<hbm>> -> memref<1x10112x128xf32, #tpu.memory_space<hbm>>
      %dma_wait3A_185 = tpu.memref_squeeze %dma_wait3A_184 : memref<1x10112x128xf32, #tpu.memory_space<hbm>> -> memref<10112x128xf32, #tpu.memory_space<hbm>>
      %dma_wait3A_186 = arith.constant 0 : i32
      %dma_wait3A_187 = tpu.memref_slice %dma_wait3A_185[%add3A_153, %dma_wait3A_186] : memref<10112x128xf32, #tpu.memory_space<hbm>> -> memref<128x128xf32, #tpu.memory_space<hbm>>
      %dma_wait3A_188 = arith.constant 0 : i32
      %dma_wait3A_189 = arith.constant 0 : i32
      %dma_wait3A_190 = tpu.memref_slice %arg5[%arg0, %dma_wait3A_188, %dma_wait3A_189] : memref<2x10112x128xf32, #tpu.memory_space<hbm>> -> memref<1x10112x128xf32, #tpu.memory_space<hbm>>
      %dma_wait3A_191 = tpu.memref_squeeze %dma_wait3A_190 : memref<1x10112x128xf32, #tpu.memory_space<hbm>> -> memref<10112x128xf32, #tpu.memory_space<hbm>>
      %dma_wait3A_192 = arith.constant 0 : i32
      %dma_wait3A_193 = tpu.memref_slice %dma_wait3A_191[%add3A_153, %dma_wait3A_192] : memref<10112x128xf32, #tpu.memory_space<hbm>> -> memref<128x128xf32, #tpu.memory_space<hbm>>
      tpu.wait_dma2 semaphore(%run_scoped3A : memref<!tpu.dma_semaphore, #tpu.memory_space<semaphore_mem>>) src(%arg11 : memref<128x128xf32, #tpu.memory_space<vmem>>) dst(%dma_wait3A_193 : memref<128x128xf32, #tpu.memory_space<hbm>>)
      tpu.yield
    }) : () -> ()
    %add3A_154 = arith.constant 128 : i32
    %add3A_155 = arith.addi %mul3A_4, %add3A_154 : i32
    "tpu.region"() ({
      %run_scoped3A = tpu.sem_alloc : memref<!tpu.dma_semaphore, #tpu.memory_space<semaphore_mem>>
      %dma_start3A_170 = arith.constant 0 : i32
      %dma_start3A_171 = tpu.memref_slice %arg14[%add3A_155, %dma_start3A_170] : memref<10112x128xf32, #tpu.memory_space<vmem_shared>> -> memref<128x128xf32, #tpu.memory_space<vmem_shared>>
      %dma_start3A_172 = arith.constant 0 : i32
      %dma_start3A_173 = tpu.memref_slice %arg14[%add3A_155, %dma_start3A_172] : memref<10112x128xf32, #tpu.memory_space<vmem_shared>> -> memref<128x128xf32, #tpu.memory_space<vmem_shared>>
      tpu.enqueue_dma source(%dma_start3A_173 : memref<128x128xf32, #tpu.memory_space<vmem_shared>>) target(%arg11 : memref<128x128xf32, #tpu.memory_space<vmem>>) target_semaphore(%run_scoped3A : memref<!tpu.dma_semaphore, #tpu.memory_space<semaphore_mem>>)
      %dma_wait3A_174 = arith.constant 0 : i32
      %dma_wait3A_175 = tpu.memref_slice %arg14[%add3A_155, %dma_wait3A_174] : memref<10112x128xf32, #tpu.memory_space<vmem_shared>> -> memref<128x128xf32, #tpu.memory_space<vmem_shared>>
      %dma_wait3A_176 = arith.constant 0 : i32
      %dma_wait3A_177 = tpu.memref_slice %arg14[%add3A_155, %dma_wait3A_176] : memref<10112x128xf32, #tpu.memory_space<vmem_shared>> -> memref<128x128xf32, #tpu.memory_space<vmem_shared>>
      tpu.wait_dma2 semaphore(%run_scoped3A : memref<!tpu.dma_semaphore, #tpu.memory_space<semaphore_mem>>) src(%dma_wait3A_177 : memref<128x128xf32, #tpu.memory_space<vmem_shared>>) dst(%arg11 : memref<128x128xf32, #tpu.memory_space<vmem>>)
      tpu.yield
    }) : () -> ()
    %add3A_156 = arith.constant 128 : i32
    %add3A_157 = arith.addi %mul3A_4, %add3A_156 : i32
    "tpu.region"() ({
      %run_scoped3A = tpu.sem_alloc : memref<!tpu.dma_semaphore, #tpu.memory_space<semaphore_mem>>
      %dma_start3A_170 = arith.constant 0 : i32
      %dma_start3A_171 = arith.constant 0 : i32
      %dma_start3A_172 = tpu.memref_slice %arg5[%arg0, %dma_start3A_170, %dma_start3A_171] : memref<2x10112x128xf32, #tpu.memory_space<hbm>> -> memref<1x10112x128xf32, #tpu.memory_space<hbm>>
      %dma_start3A_173 = tpu.memref_squeeze %dma_start3A_172 : memref<1x10112x128xf32, #tpu.memory_space<hbm>> -> memref<10112x128xf32, #tpu.memory_space<hbm>>
      %dma_start3A_174 = arith.constant 0 : i32
      %dma_start3A_175 = tpu.memref_slice %dma_start3A_173[%add3A_157, %dma_start3A_174] : memref<10112x128xf32, #tpu.memory_space<hbm>> -> memref<128x128xf32, #tpu.memory_space<hbm>>
      %dma_start3A_176 = arith.constant 0 : i32
      %dma_start3A_177 = arith.constant 0 : i32
      %dma_start3A_178 = tpu.memref_slice %arg5[%arg0, %dma_start3A_176, %dma_start3A_177] : memref<2x10112x128xf32, #tpu.memory_space<hbm>> -> memref<1x10112x128xf32, #tpu.memory_space<hbm>>
      %dma_start3A_179 = tpu.memref_squeeze %dma_start3A_178 : memref<1x10112x128xf32, #tpu.memory_space<hbm>> -> memref<10112x128xf32, #tpu.memory_space<hbm>>
      %dma_start3A_180 = arith.constant 0 : i32
      %dma_start3A_181 = tpu.memref_slice %dma_start3A_179[%add3A_157, %dma_start3A_180] : memref<10112x128xf32, #tpu.memory_space<hbm>> -> memref<128x128xf32, #tpu.memory_space<hbm>>
      tpu.enqueue_dma source(%arg11 : memref<128x128xf32, #tpu.memory_space<vmem>>) target(%dma_start3A_181 : memref<128x128xf32, #tpu.memory_space<hbm>>) target_semaphore(%run_scoped3A : memref<!tpu.dma_semaphore, #tpu.memory_space<semaphore_mem>>)
      %dma_wait3A_182 = arith.constant 0 : i32
      %dma_wait3A_183 = arith.constant 0 : i32
      %dma_wait3A_184 = tpu.memref_slice %arg5[%arg0, %dma_wait3A_182, %dma_wait3A_183] : memref<2x10112x128xf32, #tpu.memory_space<hbm>> -> memref<1x10112x128xf32, #tpu.memory_space<hbm>>
      %dma_wait3A_185 = tpu.memref_squeeze %dma_wait3A_184 : memref<1x10112x128xf32, #tpu.memory_space<hbm>> -> memref<10112x128xf32, #tpu.memory_space<hbm>>
      %dma_wait3A_186 = arith.constant 0 : i32
      %dma_wait3A_187 = tpu.memref_slice %dma_wait3A_185[%add3A_157, %dma_wait3A_186] : memref<10112x128xf32, #tpu.memory_space<hbm>> -> memref<128x128xf32, #tpu.memory_space<hbm>>
      %dma_wait3A_188 = arith.constant 0 : i32
      %dma_wait3A_189 = arith.constant 0 : i32
      %dma_wait3A_190 = tpu.memref_slice %arg5[%arg0, %dma_wait3A_188, %dma_wait3A_189] : memref<2x10112x128xf32, #tpu.memory_space<hbm>> -> memref<1x10112x128xf32, #tpu.memory_space<hbm>>
      %dma_wait3A_191 = tpu.memref_squeeze %dma_wait3A_190 : memref<1x10112x128xf32, #tpu.memory_space<hbm>> -> memref<10112x128xf32, #tpu.memory_space<hbm>>
      %dma_wait3A_192 = arith.constant 0 : i32
      %dma_wait3A_193 = tpu.memref_slice %dma_wait3A_191[%add3A_157, %dma_wait3A_192] : memref<10112x128xf32, #tpu.memory_space<hbm>> -> memref<128x128xf32, #tpu.memory_space<hbm>>
      tpu.wait_dma2 semaphore(%run_scoped3A : memref<!tpu.dma_semaphore, #tpu.memory_space<semaphore_mem>>) src(%arg11 : memref<128x128xf32, #tpu.memory_space<vmem>>) dst(%dma_wait3A_193 : memref<128x128xf32, #tpu.memory_space<hbm>>)
      tpu.yield
    }) : () -> ()
    %add3A_158 = arith.constant 256 : i32
    %add3A_159 = arith.addi %mul3A_4, %add3A_158 : i32
    "tpu.region"() ({
      %run_scoped3A = tpu.sem_alloc : memref<!tpu.dma_semaphore, #tpu.memory_space<semaphore_mem>>
      %dma_start3A_170 = arith.constant 0 : i32
      %dma_start3A_171 = tpu.memref_slice %arg14[%add3A_159, %dma_start3A_170] : memref<10112x128xf32, #tpu.memory_space<vmem_shared>> -> memref<128x128xf32, #tpu.memory_space<vmem_shared>>
      %dma_start3A_172 = arith.constant 0 : i32
      %dma_start3A_173 = tpu.memref_slice %arg14[%add3A_159, %dma_start3A_172] : memref<10112x128xf32, #tpu.memory_space<vmem_shared>> -> memref<128x128xf32, #tpu.memory_space<vmem_shared>>
      tpu.enqueue_dma source(%dma_start3A_173 : memref<128x128xf32, #tpu.memory_space<vmem_shared>>) target(%arg11 : memref<128x128xf32, #tpu.memory_space<vmem>>) target_semaphore(%run_scoped3A : memref<!tpu.dma_semaphore, #tpu.memory_space<semaphore_mem>>)
      %dma_wait3A_174 = arith.constant 0 : i32
      %dma_wait3A_175 = tpu.memref_slice %arg14[%add3A_159, %dma_wait3A_174] : memref<10112x128xf32, #tpu.memory_space<vmem_shared>> -> memref<128x128xf32, #tpu.memory_space<vmem_shared>>
      %dma_wait3A_176 = arith.constant 0 : i32
      %dma_wait3A_177 = tpu.memref_slice %arg14[%add3A_159, %dma_wait3A_176] : memref<10112x128xf32, #tpu.memory_space<vmem_shared>> -> memref<128x128xf32, #tpu.memory_space<vmem_shared>>
      tpu.wait_dma2 semaphore(%run_scoped3A : memref<!tpu.dma_semaphore, #tpu.memory_space<semaphore_mem>>) src(%dma_wait3A_177 : memref<128x128xf32, #tpu.memory_space<vmem_shared>>) dst(%arg11 : memref<128x128xf32, #tpu.memory_space<vmem>>)
      tpu.yield
    }) : () -> ()
    %add3A_160 = arith.constant 256 : i32
    %add3A_161 = arith.addi %mul3A_4, %add3A_160 : i32
    "tpu.region"() ({
      %run_scoped3A = tpu.sem_alloc : memref<!tpu.dma_semaphore, #tpu.memory_space<semaphore_mem>>
      %dma_start3A_170 = arith.constant 0 : i32
      %dma_start3A_171 = arith.constant 0 : i32
      %dma_start3A_172 = tpu.memref_slice %arg5[%arg0, %dma_start3A_170, %dma_start3A_171] : memref<2x10112x128xf32, #tpu.memory_space<hbm>> -> memref<1x10112x128xf32, #tpu.memory_space<hbm>>
      %dma_start3A_173 = tpu.memref_squeeze %dma_start3A_172 : memref<1x10112x128xf32, #tpu.memory_space<hbm>> -> memref<10112x128xf32, #tpu.memory_space<hbm>>
      %dma_start3A_174 = arith.constant 0 : i32
      %dma_start3A_175 = tpu.memref_slice %dma_start3A_173[%add3A_161, %dma_start3A_174] : memref<10112x128xf32, #tpu.memory_space<hbm>> -> memref<128x128xf32, #tpu.memory_space<hbm>>
      %dma_start3A_176 = arith.constant 0 : i32
      %dma_start3A_177 = arith.constant 0 : i32
      %dma_start3A_178 = tpu.memref_slice %arg5[%arg0, %dma_start3A_176, %dma_start3A_177] : memref<2x10112x128xf32, #tpu.memory_space<hbm>> -> memref<1x10112x128xf32, #tpu.memory_space<hbm>>
      %dma_start3A_179 = tpu.memref_squeeze %dma_start3A_178 : memref<1x10112x128xf32, #tpu.memory_space<hbm>> -> memref<10112x128xf32, #tpu.memory_space<hbm>>
      %dma_start3A_180 = arith.constant 0 : i32
      %dma_start3A_181 = tpu.memref_slice %dma_start3A_179[%add3A_161, %dma_start3A_180] : memref<10112x128xf32, #tpu.memory_space<hbm>> -> memref<128x128xf32, #tpu.memory_space<hbm>>
      tpu.enqueue_dma source(%arg11 : memref<128x128xf32, #tpu.memory_space<vmem>>) target(%dma_start3A_181 : memref<128x128xf32, #tpu.memory_space<hbm>>) target_semaphore(%run_scoped3A : memref<!tpu.dma_semaphore, #tpu.memory_space<semaphore_mem>>)
      %dma_wait3A_182 = arith.constant 0 : i32
      %dma_wait3A_183 = arith.constant 0 : i32
      %dma_wait3A_184 = tpu.memref_slice %arg5[%arg0, %dma_wait3A_182, %dma_wait3A_183] : memref<2x10112x128xf32, #tpu.memory_space<hbm>> -> memref<1x10112x128xf32, #tpu.memory_space<hbm>>
      %dma_wait3A_185 = tpu.memref_squeeze %dma_wait3A_184 : memref<1x10112x128xf32, #tpu.memory_space<hbm>> -> memref<10112x128xf32, #tpu.memory_space<hbm>>
      %dma_wait3A_186 = arith.constant 0 : i32
      %dma_wait3A_187 = tpu.memref_slice %dma_wait3A_185[%add3A_161, %dma_wait3A_186] : memref<10112x128xf32, #tpu.memory_space<hbm>> -> memref<128x128xf32, #tpu.memory_space<hbm>>
      %dma_wait3A_188 = arith.constant 0 : i32
      %dma_wait3A_189 = arith.constant 0 : i32
      %dma_wait3A_190 = tpu.memref_slice %arg5[%arg0, %dma_wait3A_188, %dma_wait3A_189] : memref<2x10112x128xf32, #tpu.memory_space<hbm>> -> memref<1x10112x128xf32, #tpu.memory_space<hbm>>
      %dma_wait3A_191 = tpu.memref_squeeze %dma_wait3A_190 : memref<1x10112x128xf32, #tpu.memory_space<hbm>> -> memref<10112x128xf32, #tpu.memory_space<hbm>>
      %dma_wait3A_192 = arith.constant 0 : i32
      %dma_wait3A_193 = tpu.memref_slice %dma_wait3A_191[%add3A_161, %dma_wait3A_192] : memref<10112x128xf32, #tpu.memory_space<hbm>> -> memref<128x128xf32, #tpu.memory_space<hbm>>
      tpu.wait_dma2 semaphore(%run_scoped3A : memref<!tpu.dma_semaphore, #tpu.memory_space<semaphore_mem>>) src(%arg11 : memref<128x128xf32, #tpu.memory_space<vmem>>) dst(%dma_wait3A_193 : memref<128x128xf32, #tpu.memory_space<hbm>>)
      tpu.yield
    }) : () -> ()
    %add3A_162 = arith.constant 384 : i32
    %add3A_163 = arith.addi %mul3A_4, %add3A_162 : i32
    "tpu.region"() ({
      %run_scoped3A = tpu.sem_alloc : memref<!tpu.dma_semaphore, #tpu.memory_space<semaphore_mem>>
      %dma_start3A_170 = arith.constant 0 : i32
      %dma_start3A_171 = tpu.memref_slice %arg14[%add3A_163, %dma_start3A_170] : memref<10112x128xf32, #tpu.memory_space<vmem_shared>> -> memref<128x128xf32, #tpu.memory_space<vmem_shared>>
      %dma_start3A_172 = arith.constant 0 : i32
      %dma_start3A_173 = tpu.memref_slice %arg14[%add3A_163, %dma_start3A_172] : memref<10112x128xf32, #tpu.memory_space<vmem_shared>> -> memref<128x128xf32, #tpu.memory_space<vmem_shared>>
      tpu.enqueue_dma source(%dma_start3A_173 : memref<128x128xf32, #tpu.memory_space<vmem_shared>>) target(%arg11 : memref<128x128xf32, #tpu.memory_space<vmem>>) target_semaphore(%run_scoped3A : memref<!tpu.dma_semaphore, #tpu.memory_space<semaphore_mem>>)
      %dma_wait3A_174 = arith.constant 0 : i32
      %dma_wait3A_175 = tpu.memref_slice %arg14[%add3A_163, %dma_wait3A_174] : memref<10112x128xf32, #tpu.memory_space<vmem_shared>> -> memref<128x128xf32, #tpu.memory_space<vmem_shared>>
      %dma_wait3A_176 = arith.constant 0 : i32
      %dma_wait3A_177 = tpu.memref_slice %arg14[%add3A_163, %dma_wait3A_176] : memref<10112x128xf32, #tpu.memory_space<vmem_shared>> -> memref<128x128xf32, #tpu.memory_space<vmem_shared>>
      tpu.wait_dma2 semaphore(%run_scoped3A : memref<!tpu.dma_semaphore, #tpu.memory_space<semaphore_mem>>) src(%dma_wait3A_177 : memref<128x128xf32, #tpu.memory_space<vmem_shared>>) dst(%arg11 : memref<128x128xf32, #tpu.memory_space<vmem>>)
      tpu.yield
    }) : () -> ()
    %add3A_164 = arith.constant 384 : i32
    %add3A_165 = arith.addi %mul3A_4, %add3A_164 : i32
    "tpu.region"() ({
      %run_scoped3A = tpu.sem_alloc : memref<!tpu.dma_semaphore, #tpu.memory_space<semaphore_mem>>
      %dma_start3A_170 = arith.constant 0 : i32
      %dma_start3A_171 = arith.constant 0 : i32
      %dma_start3A_172 = tpu.memref_slice %arg5[%arg0, %dma_start3A_170, %dma_start3A_171] : memref<2x10112x128xf32, #tpu.memory_space<hbm>> -> memref<1x10112x128xf32, #tpu.memory_space<hbm>>
      %dma_start3A_173 = tpu.memref_squeeze %dma_start3A_172 : memref<1x10112x128xf32, #tpu.memory_space<hbm>> -> memref<10112x128xf32, #tpu.memory_space<hbm>>
      %dma_start3A_174 = arith.constant 0 : i32
      %dma_start3A_175 = tpu.memref_slice %dma_start3A_173[%add3A_165, %dma_start3A_174] : memref<10112x128xf32, #tpu.memory_space<hbm>> -> memref<128x128xf32, #tpu.memory_space<hbm>>
      %dma_start3A_176 = arith.constant 0 : i32
      %dma_start3A_177 = arith.constant 0 : i32
      %dma_start3A_178 = tpu.memref_slice %arg5[%arg0, %dma_start3A_176, %dma_start3A_177] : memref<2x10112x128xf32, #tpu.memory_space<hbm>> -> memref<1x10112x128xf32, #tpu.memory_space<hbm>>
      %dma_start3A_179 = tpu.memref_squeeze %dma_start3A_178 : memref<1x10112x128xf32, #tpu.memory_space<hbm>> -> memref<10112x128xf32, #tpu.memory_space<hbm>>
      %dma_start3A_180 = arith.constant 0 : i32
      %dma_start3A_181 = tpu.memref_slice %dma_start3A_179[%add3A_165, %dma_start3A_180] : memref<10112x128xf32, #tpu.memory_space<hbm>> -> memref<128x128xf32, #tpu.memory_space<hbm>>
      tpu.enqueue_dma source(%arg11 : memref<128x128xf32, #tpu.memory_space<vmem>>) target(%dma_start3A_181 : memref<128x128xf32, #tpu.memory_space<hbm>>) target_semaphore(%run_scoped3A : memref<!tpu.dma_semaphore, #tpu.memory_space<semaphore_mem>>)
      %dma_wait3A_182 = arith.constant 0 : i32
      %dma_wait3A_183 = arith.constant 0 : i32
      %dma_wait3A_184 = tpu.memref_slice %arg5[%arg0, %dma_wait3A_182, %dma_wait3A_183] : memref<2x10112x128xf32, #tpu.memory_space<hbm>> -> memref<1x10112x128xf32, #tpu.memory_space<hbm>>
      %dma_wait3A_185 = tpu.memref_squeeze %dma_wait3A_184 : memref<1x10112x128xf32, #tpu.memory_space<hbm>> -> memref<10112x128xf32, #tpu.memory_space<hbm>>
      %dma_wait3A_186 = arith.constant 0 : i32
      %dma_wait3A_187 = tpu.memref_slice %dma_wait3A_185[%add3A_165, %dma_wait3A_186] : memref<10112x128xf32, #tpu.memory_space<hbm>> -> memref<128x128xf32, #tpu.memory_space<hbm>>
      %dma_wait3A_188 = arith.constant 0 : i32
      %dma_wait3A_189 = arith.constant 0 : i32
      %dma_wait3A_190 = tpu.memref_slice %arg5[%arg0, %dma_wait3A_188, %dma_wait3A_189] : memref<2x10112x128xf32, #tpu.memory_space<hbm>> -> memref<1x10112x128xf32, #tpu.memory_space<hbm>>
      %dma_wait3A_191 = tpu.memref_squeeze %dma_wait3A_190 : memref<1x10112x128xf32, #tpu.memory_space<hbm>> -> memref<10112x128xf32, #tpu.memory_space<hbm>>
      %dma_wait3A_192 = arith.constant 0 : i32
      %dma_wait3A_193 = tpu.memref_slice %dma_wait3A_191[%add3A_165, %dma_wait3A_192] : memref<10112x128xf32, #tpu.memory_space<hbm>> -> memref<128x128xf32, #tpu.memory_space<hbm>>
      tpu.wait_dma2 semaphore(%run_scoped3A : memref<!tpu.dma_semaphore, #tpu.memory_space<semaphore_mem>>) src(%arg11 : memref<128x128xf32, #tpu.memory_space<vmem>>) dst(%dma_wait3A_193 : memref<128x128xf32, #tpu.memory_space<hbm>>)
      tpu.yield
    }) : () -> ()
    %add3A_166 = arith.constant 512 : i32
    %add3A_167 = arith.addi %mul3A_4, %add3A_166 : i32
    "tpu.region"() ({
      %run_scoped3A = tpu.sem_alloc : memref<!tpu.dma_semaphore, #tpu.memory_space<semaphore_mem>>
      %dma_start3A_170 = arith.constant 0 : i32
      %dma_start3A_171 = arith.constant 0 : i32
      %dma_start3A_172 = tpu.memref_slice %arg11[%dma_start3A_170, %dma_start3A_171] : memref<128x128xf32, #tpu.memory_space<vmem>> -> memref<120x128xf32, #tpu.memory_space<vmem>>
      %dma_start3A_173 = arith.constant 0 : i32
      %dma_start3A_174 = tpu.memref_slice %arg14[%add3A_167, %dma_start3A_173] : memref<10112x128xf32, #tpu.memory_space<vmem_shared>> -> memref<120x128xf32, #tpu.memory_space<vmem_shared>>
      %dma_start3A_175 = arith.constant 0 : i32
      %dma_start3A_176 = arith.constant 0 : i32
      %dma_start3A_177 = tpu.memref_slice %arg11[%dma_start3A_175, %dma_start3A_176] : memref<128x128xf32, #tpu.memory_space<vmem>> -> memref<120x128xf32, #tpu.memory_space<vmem>>
      %dma_start3A_178 = arith.constant 0 : i32
      %dma_start3A_179 = tpu.memref_slice %arg14[%add3A_167, %dma_start3A_178] : memref<10112x128xf32, #tpu.memory_space<vmem_shared>> -> memref<120x128xf32, #tpu.memory_space<vmem_shared>>
      tpu.enqueue_dma source(%dma_start3A_179 : memref<120x128xf32, #tpu.memory_space<vmem_shared>>) target(%dma_start3A_177 : memref<120x128xf32, #tpu.memory_space<vmem>>) target_semaphore(%run_scoped3A : memref<!tpu.dma_semaphore, #tpu.memory_space<semaphore_mem>>)
      %dma_wait3A_180 = arith.constant 0 : i32
      %dma_wait3A_181 = arith.constant 0 : i32
      %dma_wait3A_182 = tpu.memref_slice %arg11[%dma_wait3A_180, %dma_wait3A_181] : memref<128x128xf32, #tpu.memory_space<vmem>> -> memref<120x128xf32, #tpu.memory_space<vmem>>
      %dma_wait3A_183 = arith.constant 0 : i32
      %dma_wait3A_184 = tpu.memref_slice %arg14[%add3A_167, %dma_wait3A_183] : memref<10112x128xf32, #tpu.memory_space<vmem_shared>> -> memref<120x128xf32, #tpu.memory_space<vmem_shared>>
      %dma_wait3A_185 = arith.constant 0 : i32
      %dma_wait3A_186 = arith.constant 0 : i32
      %dma_wait3A_187 = tpu.memref_slice %arg11[%dma_wait3A_185, %dma_wait3A_186] : memref<128x128xf32, #tpu.memory_space<vmem>> -> memref<120x128xf32, #tpu.memory_space<vmem>>
      %dma_wait3A_188 = arith.constant 0 : i32
      %dma_wait3A_189 = tpu.memref_slice %arg14[%add3A_167, %dma_wait3A_188] : memref<10112x128xf32, #tpu.memory_space<vmem_shared>> -> memref<120x128xf32, #tpu.memory_space<vmem_shared>>
      tpu.wait_dma2 semaphore(%run_scoped3A : memref<!tpu.dma_semaphore, #tpu.memory_space<semaphore_mem>>) src(%dma_wait3A_189 : memref<120x128xf32, #tpu.memory_space<vmem_shared>>) dst(%dma_wait3A_187 : memref<120x128xf32, #tpu.memory_space<vmem>>)
      tpu.yield
    }) : () -> ()
    %add3A_168 = arith.constant 512 : i32
    %add3A_169 = arith.addi %mul3A_4, %add3A_168 : i32
    "tpu.region"() ({
      %run_scoped3A = tpu.sem_alloc : memref<!tpu.dma_semaphore, #tpu.memory_space<semaphore_mem>>
      %dma_start3A_170 = arith.constant 0 : i32
      %dma_start3A_171 = arith.constant 0 : i32
      %dma_start3A_172 = tpu.memref_slice %arg11[%dma_start3A_170, %dma_start3A_171] : memref<128x128xf32, #tpu.memory_space<vmem>> -> memref<120x128xf32, #tpu.memory_space<vmem>>
      %dma_start3A_173 = arith.constant 0 : i32
      %dma_start3A_174 = arith.constant 0 : i32
      %dma_start3A_175 = tpu.memref_slice %arg5[%arg0, %dma_start3A_173, %dma_start3A_174] : memref<2x10112x128xf32, #tpu.memory_space<hbm>> -> memref<1x10112x128xf32, #tpu.memory_space<hbm>>
      %dma_start3A_176 = tpu.memref_squeeze %dma_start3A_175 : memref<1x10112x128xf32, #tpu.memory_space<hbm>> -> memref<10112x128xf32, #tpu.memory_space<hbm>>
      %dma_start3A_177 = arith.constant 0 : i32
      %dma_start3A_178 = tpu.memref_slice %dma_start3A_176[%add3A_169, %dma_start3A_177] : memref<10112x128xf32, #tpu.memory_space<hbm>> -> memref<120x128xf32, #tpu.memory_space<hbm>>
      %dma_start3A_179 = arith.constant 0 : i32
      %dma_start3A_180 = arith.constant 0 : i32
      %dma_start3A_181 = tpu.memref_slice %arg5[%arg0, %dma_start3A_179, %dma_start3A_180] : memref<2x10112x128xf32, #tpu.memory_space<hbm>> -> memref<1x10112x128xf32, #tpu.memory_space<hbm>>
      %dma_start3A_182 = tpu.memref_squeeze %dma_start3A_181 : memref<1x10112x128xf32, #tpu.memory_space<hbm>> -> memref<10112x128xf32, #tpu.memory_space<hbm>>
      %dma_start3A_183 = arith.constant 0 : i32
      %dma_start3A_184 = tpu.memref_slice %dma_start3A_182[%add3A_169, %dma_start3A_183] : memref<10112x128xf32, #tpu.memory_space<hbm>> -> memref<120x128xf32, #tpu.memory_space<hbm>>
      %dma_start3A_185 = arith.constant 0 : i32
      %dma_start3A_186 = arith.constant 0 : i32
      %dma_start3A_187 = tpu.memref_slice %arg11[%dma_start3A_185, %dma_start3A_186] : memref<128x128xf32, #tpu.memory_space<vmem>> -> memref<120x128xf32, #tpu.memory_space<vmem>>
      tpu.enqueue_dma source(%dma_start3A_187 : memref<120x128xf32, #tpu.memory_space<vmem>>) target(%dma_start3A_184 : memref<120x128xf32, #tpu.memory_space<hbm>>) target_semaphore(%run_scoped3A : memref<!tpu.dma_semaphore, #tpu.memory_space<semaphore_mem>>)
      %dma_wait3A_188 = arith.constant 0 : i32
      %dma_wait3A_189 = arith.constant 0 : i32
      %dma_wait3A_190 = tpu.memref_slice %arg11[%dma_wait3A_188, %dma_wait3A_189] : memref<128x128xf32, #tpu.memory_space<vmem>> -> memref<120x128xf32, #tpu.memory_space<vmem>>
      %dma_wait3A_191 = arith.constant 0 : i32
      %dma_wait3A_192 = arith.constant 0 : i32
      %dma_wait3A_193 = tpu.memref_slice %arg5[%arg0, %dma_wait3A_191, %dma_wait3A_192] : memref<2x10112x128xf32, #tpu.memory_space<hbm>> -> memref<1x10112x128xf32, #tpu.memory_space<hbm>>
      %dma_wait3A_194 = tpu.memref_squeeze %dma_wait3A_193 : memref<1x10112x128xf32, #tpu.memory_space<hbm>> -> memref<10112x128xf32, #tpu.memory_space<hbm>>
      %dma_wait3A_195 = arith.constant 0 : i32
      %dma_wait3A_196 = tpu.memref_slice %dma_wait3A_194[%add3A_169, %dma_wait3A_195] : memref<10112x128xf32, #tpu.memory_space<hbm>> -> memref<120x128xf32, #tpu.memory_space<hbm>>
      %dma_wait3A_197 = arith.constant 0 : i32
      %dma_wait3A_198 = arith.constant 0 : i32
      %dma_wait3A_199 = tpu.memref_slice %arg5[%arg0, %dma_wait3A_197, %dma_wait3A_198] : memref<2x10112x128xf32, #tpu.memory_space<hbm>> -> memref<1x10112x128xf32, #tpu.memory_space<hbm>>
      %dma_wait3A_200 = tpu.memref_squeeze %dma_wait3A_199 : memref<1x10112x128xf32, #tpu.memory_space<hbm>> -> memref<10112x128xf32, #tpu.memory_space<hbm>>
      %dma_wait3A_201 = arith.constant 0 : i32
      %dma_wait3A_202 = tpu.memref_slice %dma_wait3A_200[%add3A_169, %dma_wait3A_201] : memref<10112x128xf32, #tpu.memory_space<hbm>> -> memref<120x128xf32, #tpu.memory_space<hbm>>
      %dma_wait3A_203 = arith.constant 0 : i32
      %dma_wait3A_204 = arith.constant 0 : i32
      %dma_wait3A_205 = tpu.memref_slice %arg11[%dma_wait3A_203, %dma_wait3A_204] : memref<128x128xf32, #tpu.memory_space<vmem>> -> memref<120x128xf32, #tpu.memory_space<vmem>>
      tpu.wait_dma2 semaphore(%run_scoped3A : memref<!tpu.dma_semaphore, #tpu.memory_space<semaphore_mem>>) src(%dma_wait3A_205 : memref<120x128xf32, #tpu.memory_space<vmem>>) dst(%dma_wait3A_202 : memref<120x128xf32, #tpu.memory_space<hbm>>)
      tpu.yield
    }) : () -> ()
    return
  }
}

module attributes {stable_mosaic.version = 14 : i64} {
  func.func @_combine_body(%arg0: i32, %arg1: memref<2x2000x128xf32, #tpu.memory_space<vmem>>, %arg2: memref<2x2000x128xf32, #tpu.memory_space<vmem>>, %arg3: memref<2000x128xf32, #tpu.memory_space<vmem>>) attributes {dimension_semantics = [#tpu.dimension_semantics<arbitrary>], iteration_bounds = array<i64: 5>, scalar_prefetch = 0 : i64, scratch_operands = 0 : i64, tpu.core_type = #tpu.core_type<tc>, window_params = [{transform_indices = @transform_0, window_bounds = array<i64: 2, 2000, 128>}, {transform_indices = @transform_1, window_bounds = array<i64: 2, 2000, 128>}, {transform_indices = @transform_2, window_bounds = array<i64: 2000, 128>}]} {
    %get3A = arith.constant 0 : index
    %get3A_0 = arith.constant 0 : index
    %get3A_1 = arith.constant 0 : index
    %get3A_2 = vector.load %arg1[%get3A, %get3A_0, %get3A_1] : memref<2x2000x128xf32, #tpu.memory_space<vmem>>, vector<1x2000x128xf32>
    %get3A_3 = vector.shape_cast %get3A_2 : vector<1x2000x128xf32> to vector<2000x128xf32>
    %get3A_4 = arith.constant 1 : index
    %get3A_5 = arith.constant 0 : index
    %get3A_6 = arith.constant 0 : index
    %get3A_7 = vector.load %arg1[%get3A_4, %get3A_5, %get3A_6] : memref<2x2000x128xf32, #tpu.memory_space<vmem>>, vector<1x2000x128xf32>
    %get3A_8 = vector.shape_cast %get3A_7 : vector<1x2000x128xf32> to vector<2000x128xf32>
    %add3A = arith.addf %get3A_3, %get3A_8 : vector<2000x128xf32>
    %get3A_9 = arith.constant 0 : index
    %get3A_10 = arith.constant 0 : index
    %get3A_11 = arith.constant 0 : index
    %get3A_12 = vector.load %arg2[%get3A_9, %get3A_10, %get3A_11] : memref<2x2000x128xf32, #tpu.memory_space<vmem>>, vector<1x2000x1xf32>
    %get3A_13 = vector.shape_cast %get3A_12 : vector<1x2000x1xf32> to vector<2000x1xf32>
    %get3A_14 = arith.constant 1 : index
    %get3A_15 = arith.constant 0 : index
    %get3A_16 = arith.constant 0 : index
    %get3A_17 = vector.load %arg2[%get3A_14, %get3A_15, %get3A_16] : memref<2x2000x128xf32, #tpu.memory_space<vmem>>, vector<1x2000x1xf32>
    %get3A_18 = vector.shape_cast %get3A_17 : vector<1x2000x1xf32> to vector<2000x1xf32>
    %add3A_19 = arith.addf %get3A_13, %get3A_18 : vector<2000x1xf32>
    %slice3A = vector.extract_strided_slice %add3A {offsets = [0, 0], sizes = [2000, 1], strides = [1, 1]} : vector<2000x128xf32> to vector<2000x1xf32>
    %sub3A = arith.subf %add3A_19, %slice3A : vector<2000x1xf32>
    %max3A = arith.constant 1.000000e+00 : f32
    %max3A_20 = vector.broadcast %max3A : f32 to vector<2000x1xf32>
    %max3A_21 = arith.maximumf %sub3A, %max3A_20 : vector<2000x1xf32>
    %div3A = vector.broadcast %max3A_21 : vector<2000x1xf32> to vector<2000x128xf32>
    %div3A_22 = arith.divf %add3A, %div3A : vector<2000x128xf32>
    %swap3A = arith.constant 0 : index
    %swap3A_23 = arith.constant 0 : index
    %swap3A_24 = vector.load %arg3[%swap3A, %swap3A_23] : memref<2000x128xf32, #tpu.memory_space<vmem>>, vector<2000x128xf32>
    tpu.vector_store %arg3[%swap3A, %swap3A_23], %div3A_22 {strides = array<i32>} : memref<2000x128xf32, #tpu.memory_space<vmem>>, vector<2000x128xf32>,
    return
  }
  func.func @transform_0(%arg0: i32) -> (i32, i32, i32) {
    %c0_i32 = arith.constant 0 : i32
    %c0_i32_0 = arith.constant 0 : i32
    %c0_i32_1 = arith.constant 0 : i32
    return %c0_i32, %arg0, %c0_i32_0 : i32, i32, i32
  }
  func.func @transform_1(%arg0: i32) -> (i32, i32, i32) {
    %c0_i32 = arith.constant 0 : i32
    %c0_i32_0 = arith.constant 0 : i32
    %c0_i32_1 = arith.constant 0 : i32
    return %c0_i32, %arg0, %c0_i32_0 : i32, i32, i32
  }
  func.func @transform_2(%arg0: i32) -> (i32, i32) {
    %c0_i32 = arith.constant 0 : i32
    %c0_i32_0 = arith.constant 0 : i32
    return %arg0, %c0_i32 : i32, i32
  }
}

</mosaic_0001>

<sc_bundles>
// kernel: kernel.4.cloned.1.call-start
scs
__scs_entry_jumppad:
0x0: {  	(pc) =	sbr.rel $0x88, $3  }
0x1: {  	(tag) =	ssettag $0x0;
	lr =	simm.s32 $0x1  }
0x2: {  	[smem:$0x3F9F] =	sst lr;
	_ =	strace $0xD0000000  }
0x3: {  	_ = 	snop  }
0x4: {  	_ = 	snop  }
0x5: {  	_ = 	snop  }
0x6: {  	_ = 	snop  }
0x7: {  	_ = 	snop  }
__scs_overlays_trampoline_lowered:
0x8: {  	[smem:$0x3FAE] =	sst s0  }
0x9: {  	[smem:$0x3FAF] =	sst s1  }
0xa: {  	[smem:$0x3FB0] =	sst s2  }
0xb: {  	[smem:$0x3FB1] =	sst s3  }
0xc: {  	[smem:$0x3FB2] =	sst s4  }
0xd: {  	[smem:$0x3FB3] =	sst s5  }
0xe: {  	[smem:$0x3FB4] =	sst s6  }
0xf: {  	[smem:$0x3FB5] =	sst s7  }
0x10: {  	[smem:$0x3FB6] =	sst s8  }
0x11: {  	[smem:$0x3FB7] =	sst s9;
	s0 =	simm.s32 @!p0 $0x0  }
0x12: {  	s1 =	sld [smem:$0x3F9D];
	s0 =	simm.s32 @p0 $0x1  }
0x13: {  	[smem:$0x3FB8] =	sst s0;
	s0 =	simm.s32 @!p1 $0x0  }
0x14: {  	s2 =	sld [smem:$0x3F9C];
	s0 =	simm.s32 @p1 $0x1  }
0x15: {  	[smem:$0x3FB9] =	sst s0;
	s0 =	simm.s32 @!p2 $0x0  }
0x16: {  	s3 =	sld [smem:$0x3FDB];
	s0 =	simm.s32 @p2 $0x1  }
0x17: {  	s4 =	simm.s32 $0x1BF5;
	[smem:$0x3FBB] =	sst s0  }
0x18: {  	s0 =	sld [smem:$0x3F9E];
	_ =	swait.ge [sflag:s4], $0x0  }
0x19: {  	s7 =	sld [smem:$0x3F9F]  }
0x1a: {  	s8 =	sadd.s32 $0xFFFFE003, lr  }
0x1b: {  	s9 =	sadd.s32 $0xFFFFFEF7, lr;
	s5 =	simm.s32 $0xFFFFFFFF;
	p2 =	slt.u32 s8, $0xFFFFF086  }
0x1c: {  	p1 =	slt.u32 s9, $0xF7A;
	s5 =	simm.s32 @!p2 $0x0  }
0x1d: {  	s5 =	simm.s32 @p1 $0x1;
	p0 =	seq.s32 s7, s2  }
0x1e: {  	s7 =	smul.u32 @!p0 $0xF7A, s2;
	p2 =	seq.s32 @!p0 s5, $0x0  }
0x1f: {  	s9 =	smul.u32 $0xF7A, s1;
	s8 =	simm.s32 @!p0 $0x1BF5;
	p2 =	por !p2, p0  }
0x20: {  	[sflag:s8] =	ssyncset.s32 @!p0 $0xFFFFF086;
	s6 =	sadd.s32 @!p0 s3, s7;
	s7 =	simm.s32 @!p0 $0x108  }
0x21: {  	s3 =	sadd.s32 s3, s9;
	s6 =	sadd.s32 @!p0 $0x88, s6;
	s7 =	simm.s32 @p2 $0x1082  }
0x22: {  	[simem:s7], [sflag:s8] =	dma.local @!p0 [hbm:s6], $0xF7A  }
0x23: {  	s9 =	sor.u32 $0xD0000000, s2;
	s6 =	simm.s32 $0x108;
	_ =	swait.ge @!p0 [sflag:s8], $0x0  }
0x24: {  	s3 =	sadd.s32 $0x88, s3;
	s6 =	simm.s32 @!p1 $0x1082;
	[sflag:s4] =	ssyncset.s32 $0xFFFFF086  }
0x25: {  	[simem:s6], [sflag:s4] =	dma.local [hbm:s3], $0xF7A  }
0x26: {  	[smem:$0x3F9F] =	sst s1;
	(tag) =	ssettag s2;
	_ =	strace s9  }
0x27: {  	s1 =	sld [smem:$0x3FAF]  }
0x28: {  	s2 =	sld [smem:$0x3FB0]  }
0x29: {  	s4 =	sld [smem:$0x3FB2]  }
0x2a: {  	p0 =	seq.s32 s5, $0x0;
	s5 =	sld [smem:$0x3FB3]  }
0x2b: {  	s6 =	sld [smem:$0x3FB4]  }
0x2c: {  	s7 =	sld [smem:$0x3FB5]  }
0x2d: {  	s3 =	simm.s32 $0x108;
	s8 =	sld [smem:$0x3FB6]  }
0x2e: {  	s3 =	simm.s32 @!p0 $0x1082;
	s9 =	sld [smem:$0x3FB7]  }
0x2f: {  	lr =	sadd.s32 s0, s3;
	s0 =	sld [smem:$0x3FAE]  }
0x30: {  	s3 =	sld [smem:$0x3FB1]  }
0x31: {  	[smem:$0x3FBA] =	sst s10  }
0x32: {  	s10 =	sld [smem:$0x3FB8];
	_ =	sdelay $0x3  }
0x33: {  	p0 =	seq.s32 s10, $0x1;
	s10 =	sld [smem:$0x3FBA];
	_ =	sdelay $0x3  }
0x34: {  	[smem:$0x3FBA] =	sst s10  }
0x35: {  	s10 =	sld [smem:$0x3FB9];
	_ =	sdelay $0x3  }
0x36: {  	p1 =	seq.s32 s10, $0x1;
	s10 =	sld [smem:$0x3FBA];
	_ =	sdelay $0x3  }
0x37: {  	[smem:$0x3FBA] =	sst s10  }
0x38: {  	s10 =	sld [smem:$0x3FBB]  }
0x39: {  	_ = 	snop;
	(pc) =	sbr.ind lr, $3  }
0x3a: {  	_ = 	snop  }
0x3b: {  	_ = 	snop  }
0x3c: {  	p2 =	seq.s32 s10, $0x1;
	s10 =	sld [smem:$0x3FBA]  }
0x3d: {  	_ =	shalt  }
0x3e: {  	_ =	shalt  }
0x3f: {  	_ =	shalt  }
0x40: {  	_ =	shalt  }
0x41: {  	_ =	shalt  }
0x42: {  	_ =	shalt  }
0x43: {  	_ =	shalt  }
0x44: {  	_ =	shalt  }
0x45: {  	_ =	shalt  }
0x46: {  	_ =	shalt  }
0x47: {  	_ =	shalt  }
0x48: {  	_ =	shalt  }
0x49: {  	_ =	shalt  }
0x4a: {  	_ =	shalt  }
0x4b: {  	_ =	shalt  }
0x4c: {  	_ =	shalt  }
0x4d: {  	_ =	shalt  }
0x4e: {  	_ =	shalt  }
0x4f: {  	_ =	shalt  }
0x50: {  	_ =	shalt  }
0x51: {  	_ =	shalt  }
0x52: {  	_ =	shalt  }
0x53: {  	_ =	shalt  }
0x54: {  	_ =	shalt  }
0x55: {  	_ =	shalt  }
0x56: {  	_ =	shalt  }
0x57: {  	_ =	shalt  }
0x58: {  	_ =	shalt  }
0x59: {  	_ =	shalt  }
0x5a: {  	_ =	shalt  }
0x5b: {  	_ =	shalt  }
0x5c: {  	_ =	shalt  }
0x5d: {  	_ =	shalt  }
0x5e: {  	_ =	shalt  }
0x5f: {  	_ =	shalt  }
0x60: {  	_ =	shalt  }
0x61: {  	_ =	shalt  }
0x62: {  	_ =	shalt  }
0x63: {  	_ =	shalt  }
0x64: {  	_ =	shalt  }
0x65: {  	_ =	shalt  }
0x66: {  	_ =	shalt  }
0x67: {  	_ =	shalt  }
0x68: {  	_ =	shalt  }
0x69: {  	_ =	shalt  }
0x6a: {  	_ =	shalt  }
0x6b: {  	_ =	shalt  }
0x6c: {  	_ =	shalt  }
0x6d: {  	_ =	shalt  }
0x6e: {  	_ =	shalt  }
0x6f: {  	_ =	shalt  }
0x70: {  	_ =	shalt  }
0x71: {  	_ =	shalt  }
0x72: {  	_ =	shalt  }
0x73: {  	_ =	shalt  }
0x74: {  	_ =	shalt  }
0x75: {  	_ =	shalt  }
0x76: {  	_ =	shalt  }
0x77: {  	_ =	shalt  }
0x78: {  	_ =	shalt  }
0x79: {  	_ =	shalt  }
0x7a: {  	_ =	shalt  }
0x7b: {  	_ =	shalt  }
0x7c: {  	_ =	shalt  }
0x7d: {  	_ =	shalt  }
0x7e: {  	_ =	shalt  }
0x7f: {  	_ =	shalt  }
0x80: {  	_ =	shalt  }
0x81: {  	_ =	shalt  }
0x82: {  	_ =	shalt  }
0x83: {  	_ =	shalt  }
0x84: {  	_ =	shalt  }
0x85: {  	_ =	shalt  }
0x86: {  	_ =	shalt  }
0x87: {  	_ =	shalt  }
.Lfunc_end0:
.L_simem_size_0:
called_computation_lowered:
.L_overlay_start_0:
0x88: {  	s2 =	sld [smem:$0x3FD9]  }
0x89: {  	s3 =	sld [smem:$0x3FFE];
	_ =	sdelay $0x1  }
0x8a: {  	s1 =	srdreg.scid  }
0x8b: {  	s0 =	sand.u32 $0x1, s1  }
0x8c: {  	s17 =	sshll.u32 s0, $0xA;
	s2 =	sadd.s32 s3, s2  }
0x8d: {  	s2 =	sadd.s32 s2, s17  }
0x8e: {  	[smem:$0x3FC6] =	sst s2  }
0x8f: {  	_ = 	snop  }
0x90: {  	s2 =	sld [smem:$0x3FC9]  }
0x91: {  	s18 =	sld [smem:$0x3FD0];
	(tm) =	ssettm $0x1  }
0x92: {  	s4 =	sld [smem:$0x3FFB];
	_ =	sdelay $0x3  }
0x93: {  	_ =	strace s4  }
0x94: {  	s4 =	sld [smem:$0x3FFC];
	_ =	sdelay $0x3  }
0x95: {  	_ =	strace s4  }
0x96: {  	s4 =	sld [smem:$0x3FFD];
	_ =	sdelay $0x3  }
0x97: {  	_ =	strace s4  }
0x98: {  	_ =	strace $0x8FFFFFFF  }
0x99: {  	s19 =	sld [smem:$0x3FDB];
	_ =	sdelay $0x1  }
0x9a: {  	s5 =	simm.s32 $_scs_section_size  }
0x9b: {  	s6 =	simm.s32 $_size__tile_overlayer_lowered;
	s7 =	simm.s32 $_tile_overlayer_lowered  }
0x9c: {  	s22 =	simm.s32 $0x1BFF;
	s21 =	sshll.u32 s7, $0x1;
	s4 =	sadd.s32 s5, s19  }
0x9d: {  	s8 =	simm.s32 $0x0;
	s20 =	sshll.u32 s6, $0x1;
	s6 =	sadd.s32 s21, s4  }
0x9e: {  	[timem:s8], [sflag:s22] =	dma.local [hbm:s6], s20  }
0x9f: {  	_ =	swait.ge [sflag:s22], s20  }
0xa0: {  	s5 =	ssub.s32 $0x0, s20;
	[sflag:s22] =	ssyncset.done $0x0  }
0xa1: {  	[sflag:s22] =	ssyncadd.s32 s5;
	_ =	sdelay $0x1  }
0xa2: {  	s23 =	simm.s32 $0x1B8B  }
0xa3: {  	_ =	swait.ge [sflag:s23], $0x1  }
0xa4: {  	[sflag:s23] =	ssyncset.done $0x0  }
0xa5: {  	s25 =	simm.s32 $0x1B8E;
	s24 =	sld [smem:$0x3FFE];
	[sflag:s23] =	ssyncadd.s32 $0xFFFFFFFF  }
0xa6: {  	s26 =	simm.s32 $execute0_lowered;
	[smem:$0x3FD2] =	sst s25  }
0xa7: {  	s6 =	sshll.u32 s26, $0x1;
	_ =	strace $0x80000046;
	[dreg:$0x1] =	wrdreg $0xFFFFFFFF  }
0xa8: {  	s28 =	simm.s32 $_size_execute0_lowered;
	s4 =	sadd.s32 s4, s6;
	[dreg:$0x0] =	wrdreg $0x0  }
0xa9: {  	s6 =	sshll.u32 s28, $0x1;
	[dreg:$0x2] =	wrdreg s4  }
0xaa: {  	[dreg:$0x3] =	wrdreg s6  }
0xab: {  	[dreg:$0x4] =	wrdreg $0xC0  }
0xac: {  	_ =	task [dreg:s8], $0x5FFFF  }
0xad: {  	[dreg:$0x1] =	wrdreg $0xFFFFFFFF  }
0xae: {  	[dreg:$0x0] =	wrdreg $0x60  }
0xaf: {  	[dreg:$0x2] =	wrdreg s18  }
0xb0: {  	[dreg:$0x3] =	wrdreg s2  }
0xb1: {  	[dreg:$0x4] =	wrdreg s24  }
0xb2: {  	[dreg:$0x5] =	wrdreg $0x83000  }
0xb3: {  	[dreg:$0x6] =	wrdreg $0x9  }
0xb4: {  	_ =	task.clear_ibuf [dreg:s8], $0x7FFFF;
	_ =	strace $0x90000046  }
0xb5: {  	s29 =	simm.s32 $0x9;
	_ =	strace $0x80000048  }
0xb6: {  	_ =	swait.ge [sflag:s29], $0x1  }
0xb7: {  	[sflag:s29] =	ssyncadd.s32 $0xFFFFFFFF  }
0xb8: {  	_ =	strace $0x90000048  }
0xb9: {  	_ =	sfence  }
0xba: {  	s30 =	sld [smem:$0x0];
	_ =	sdelay $0x2  }
0xbb: {  	s31 =	sshll.u32 s1, $0xD;
	s1 =	sshrl.u32 s1, $0x2  }
0xbc: {  	s3 =	sand.u32 $0x4000, s31;
	s1 =	sadd.s32 s1, s30  }
0xbd: {  	s0 =	sor.u32 s3, s0;
	s1 =	sshll.u32 s1, $0x11  }
0xbe: {  	s0 =	sor.u32 s1, s0  }
0xbf: {  	s0 =	sadd.s32 $0x8F2B, s0  }
0xc0: {  	[sflag:s0] =	ssyncadd.remote.s32 $0x1  }
0xc1: {  	_ =	sfence.sel $0xFFFF  }
0xc2: {  	[dreg:$0x0] =	wrdreg $0xFFFFFFFF;
	(pc) =	sbr.abs _section_cstart, $3  }
0xc3: {  	[dreg:$0x1] =	wrdreg $0xFFFFFFFF  }
0xc4: {  	_ =	task.clear_ibuf [dreg:s8], $0x2FFFF;
	_ =	strace $0x9FFFFFFF  }
0xc5: {  	(tm) =	ssettm $0x7FFFFFFF  }
tec
execute0_lowered:
.L_overlay_start_1:
0x0: {  	(tag) =	ssettag $0x1  }
0x1: {  	s1 =	rddreg [dreg:$0x0]  }
0x2: {  	s2 =	rddreg [dreg:$0x1]  }
0x3: {  	s0 =	rddreg [dreg:$0x2];
	s18 =	stileid.u32  }
0x4: {  	s3 =	rddreg [dreg:$0x3];
	s9 =	smul.u32 $0x278, s18  }
0x5: {  	s4 =	simm.s32 $0x0;
	s5 =	srdreg.scid;
	s11 =	smul.u32 $0x4F000, s18  }
0x6: {  	s30 =	simm.s32 $0x200;
	s5 =	sand.u32 $0x1, s5;
	s21 =	smul.u32 $0x2710, s18  }
0x7: {  	s31 =	simm.s32 $0x5;
	[smem:$0x7FF] =	sst s4;
	s6 =	smul.u32 $0x27800, s5  }
0x8: {  	_ =	strace $0x80000047;
	s7 =	ssub.s32 $0x2, s5;
	s10 =	sshll.u32 s5, $0x4  }
0x9: {  	s5 =	smul.u32 $0x27100, s5;
	s8 =	sshrl.u32 s7, $0x1;
	s24 =	sor.u32 s18, s10  }
0xa: {  	s25 =	sshrl.u32 s11, $0x2;
	s26 =	sadd.s32 $0x80, s9;
	s13 =	sadd.s32 $0x100, s9  }
0xb: {  	s14 =	sadd.s32 $0x180, s9;
	s11 =	simm.s32 $0x4200;
	s0 =	sadd.s32 s6, s0  }
0xc: {  	s12 =	ssub.s32 s7, s8;
	s10 =	smul.u32 $0x2710, s24;
	s6 =	sadd.s32 s25, s3  }
0xd: {  	s16 =	sshll.u32 s26, $0x7;
	s17 =	sshll.u32 s13, $0x7;
	s15 =	sshll.u32 s14, $0x7  }
0xe: {  	s29 =	sshll.u32 s26, $0x4;
	s23 =	sshll.u32 s13, $0x4;
	s24 =	sshll.u32 s14, $0x4  }
0xf: {  	s5 =	sadd.s32 s21, s5;
	s7 =	sadd.s32 s16, s3;
	s8 =	sadd.s32 s17, s3  }
0x10: {  	s16 =	sadd.s32 $0x200, s9;
	s9 =	sadd.s32 s15, s3;
	[dreg:$0x8] =	wrdreg s23  }
0x11: {  	s15 =	sadd.s32 $0xC00, s0;
	[dreg:$0x9] =	wrdreg s24;
	s26 =	sadd.s32 $0x4E300, s5  }
0x12: {  	s12 =	smax.u32 s12, $0x1;
	s13 =	sadd.s32 $0x4E380, s5;
	s19 =	sshll.u32 s16, $0x7  }
0x13: {  	s17 =	sshrl.u32 s10, $0x3;
	s25 =	sshll.u32 s16, $0x4;
	[dreg:$0xb] =	wrdreg s12  }
0x14: {  	s14 =	sshrl.u32 s13, $0x3;
	s16 =	sadd.s32 $0x180, s5;
	s5 =	sadd.s32 $0x100, s5  }
0x15: {  	s13 =	simm.s32 $0x180;
	s12 =	simm.s32 $0x1;
	[dreg:$0xa] =	wrdreg s25  }
0x16: {  	s10 =	sadd.s32 s19, s3;
	s19 =	sadd.s32 s1, s17;
	[dreg:$0xc] =	wrdreg s5  }
0x17: {  	s24 =	sadd.s32 s14, s1;
	s17 =	sshrl.u32 s16, $0x3;
	s5 =	simm.s32 $0x80  }
0x18: {  	s14 =	simm.s32 $0x2;
	s28 =	sadd.s32 $0x9C40, s19;
	s20 =	sadd.s32 $0x10, s19  }
0x19: {  	s22 =	sadd.s32 $0x9C50, s19;
	s25 =	sadd.s32 s17, s1;
	[dreg:$0x5] =	wrdreg s19  }
0x1a: {  	s21 =	sadd.s32 $0x4E0, s19;
	s23 =	sadd.s32 $0xA120, s19;
	[dreg:$0x6] =	wrdreg s20  }
0x1b: {  	s17 =	simm.s32 $0x0;
	[dreg:$0x7] =	wrdreg s22;
	s20 =	sadd.s32 $0x4FC00, s0  }
0x1c: {  	s0 =	sshrl.u32 s26, $0x3;
	[dreg:$0xd] =	wrdreg s21;
	s26 =	smul.u32 $0x2780, s18  }
0x1d: {  	[dreg:$0xe] =	wrdreg s23;
	s21 =	simm.s32 $0x3;
	s22 =	sadd.s32 s0, s1  }
0x1e: {  	v0 =	vimm.f32 $0.0e+00;
	v1 =	vimm.f32 $1.000000000e+00;
	s0 =	simm.s32 $0x100;
	[dreg:$0xf] =	wrdreg s26;
	s26 =	simm.s32 $0x4  }
.LBB2_1:
0x1f: {  	s16 =	smov.u32 s29;
	s18 =	simm.s32 $0x0;
	s23 =	simm.s32 $0x200  }
.LBB2_2:
0x20: {  	p0 =	sne.s32 s23, $0xFE00;
	[tilespmem:s18+$0x270] =	vst v0  }
0x21: {  	[tilespmem:s18+$0x200] =	vst v0  }
0x22: {  	[tilespmem:s18+$0x210] =	vst v0  }
.Ltmp0:
0x23: {  	[tilespmem:s18+$0x220] =	vst v0;
	(pc) =	sbr.rel @p0 .LBB2_2-.Ltmp0, $4  }
0x24: {  	[tilespmem:s18+$0x230] =	vst v0  }
0x25: {  	[tilespmem:s18+$0x240] =	vst v0  }
0x26: {  	[tilespmem:s18+$0x250] =	vst v0  }
0x27: {  	[tilespmem:s18+$0x260] =	vst v0;
	s18 =	sshra.s32 s23, $0x2;
	s23 =	sadd.s32 $0x200, s23  }
0x28: {  	[tilespmem:s18+$0x270] =	vst v0  }
0x29: {  	[tilespmem:s18+$0x200] =	vst v0  }
0x2a: {  	[tilespmem:s18+$0x210] =	vst v0  }
0x2b: {  	[tilespmem:s18+$0x220] =	vst v0  }
0x2c: {  	[tilespmem:s18+$0x230] =	vst v0  }
0x2d: {  	[tilespmem:s18+$0x240] =	vst v0  }
0x2e: {  	[tilespmem:s18+$0x250] =	vst v0  }
0x2f: {  	[tilespmem:s18+$0x260] =	vst v0  }
0x30: {  	[spmem:s6] =	stream.linear.scatter [tilespmem:s30], [sflag:$0x5], $0x4000, $0x38;
	[tilespmem:$0x1BF00] =	vst v63  }
0x31: {  	_ =	swait.ge [sflag:s31], $0x4000  }
0x32: {  	[sflag:s31] =	ssyncset.done $0x0  }
0x33: {  	[sflag:s31] =	ssyncadd.s32 $0xFFFFC000  }
0x34: {  	[spmem:s7] =	stream.linear.scatter [tilespmem:s30], [sflag:$0x5], $0x4000, $0x38;
	[tilespmem:$0x1BF00] =	vst v63  }
0x35: {  	_ =	swait.ge [sflag:s31], $0x4000  }
0x36: {  	[sflag:s31] =	ssyncset.done $0x0  }
0x37: {  	[sflag:s31] =	ssyncadd.s32 $0xFFFFC000  }
0x38: {  	[spmem:s8] =	stream.linear.scatter [tilespmem:s30], [sflag:$0x5], $0x4000, $0x38;
	[tilespmem:$0x1BF00] =	vst v63  }
0x39: {  	_ =	swait.ge [sflag:s31], $0x4000  }
0x3a: {  	[sflag:s31] =	ssyncset.done $0x0  }
0x3b: {  	[sflag:s31] =	ssyncadd.s32 $0xFFFFC000  }
0x3c: {  	[spmem:s9] =	stream.linear.scatter [tilespmem:s30], [sflag:$0x5], $0x4000, $0x38;
	[tilespmem:$0x1BF00] =	vst v63  }
0x3d: {  	_ =	swait.ge [sflag:s31], $0x4000  }
0x3e: {  	[sflag:s31] =	ssyncset.done $0x0  }
0x3f: {  	[sflag:s31] =	ssyncadd.s32 $0xFFFFC000  }
0x40: {  	[spmem:s10] =	stream.linear.scatter [tilespmem:s30], [sflag:$0x5], $0x3C00, $0x38;
	[tilespmem:$0x1BF00] =	vst v63  }
0x41: {  	_ =	swait.ge [sflag:s31], $0x3C00  }
0x42: {  	[sflag:s31] =	ssyncset.done $0x0  }
0x43: {  	[sflag:s31] =	ssyncadd.s32 $0xFFFFC400  }
0x44: {  	[bflag:$0x0] =	sbarrier.arrive $0xFFFF  }
0x45: {  	s18 =	simm.s32 $0x0;
	s19 =	rddreg [dreg:$0x5]  }
0x46: {  	[tilespmem:s18], [sflag:$0x3] =	stream.linear.gather [hbm4b:s19+s18], $0x80, $0x38;
	[tilespmem:$0x1BF00] =	vst v63  }
0x47: {  	_ = 	snop  }
0x48: {  	[tilespmem:s0], [sflag:$0x3] =	stream.linear.gather [hbm4b:s28+s18], $0x80, $0x38;
	[tilespmem:$0x1BF00] =	vst v63  }
0x49: {  	s23 =	rddreg [dreg:$0x6]  }
0x4a: {  	[tilespmem:s5], [sflag:$0x4] =	stream.linear.gather [hbm4b:s23+s18], $0x80, $0x38;
	[tilespmem:$0x1BF00] =	vst v63  }
0x4b: {  	s29 =	smov.u32 s28;
	s28 =	rddreg [dreg:$0x7]  }
0x4c: {  	[tilespmem:s13], [sflag:$0x4] =	stream.linear.gather [hbm4b:s28+s18], $0x80, $0x38;
	[tilespmem:$0x1BF00] =	vst v63  }
0x4d: {  	_ =	swait.ge [sflag:s21], $0x80  }
0x4e: {  	[sflag:s21] =	ssyncset.done $0x0  }
0x4f: {  	[sflag:s21] =	ssyncadd.s32 $0xFFFFFF80  }
0x50: {  	_ =	swait.ge [sflag:s21], $0x80  }
0x51: {  	[sflag:s21] =	ssyncset.done $0x0  }
0x52: {  	[sflag:s21] =	ssyncadd.s32 $0xFFFFFF80  }
0x53: {  	[tilespmem:s30], [sflag:$0x1] =	stream.indirect.gather [hbm4b:s2+s5], $0x80, s18, s5, $0xb8;
	[tilespmem:$0x1BF00] =	vst v63  }
0x54: {  	_ =	swait.ge [sflag:s26], $0x80  }
0x55: {  	[sflag:s26] =	ssyncset.done $0x0  }
0x56: {  	[sflag:s26] =	ssyncadd.s32 $0xFFFFFF80  }
0x57: {  	_ =	swait.ge [sflag:s26], $0x80  }
0x58: {  	[sflag:s26] =	ssyncset.done $0x0  }
0x59: {  	[sflag:s26] =	ssyncadd.s32 $0xFFFFFF80  }
0x5a: {  	[tilespmem:s11], [sflag:$0x2] =	stream.indirect.gather [hbm4b:s2+s5], $0x80, s5, s5, $0xb8;
	[tilespmem:$0x1BF00] =	vst v63  }
0x5b: {  	_ =	swait.ge [sflag:s12], $0x4000  }
0x5c: {  	[sflag:s12] =	ssyncset.done $0x0  }
0x5d: {  	[sflag:s12] =	ssyncadd.s32 $0xFFFFC000  }
0x5e: {  	[spmem:s3] =	stream.indirect.scatter.add.f32 [tilespmem:s30], [sflag:$0x5], $0x80, s0, s5, $0xb8;
	[tilespmem:$0x1BF00] =	vst v63  }
0x5f: {  	_ =	swait.ge [sflag:s31], $0x4000  }
0x60: {  	s23 =	rddreg [dreg:$0xc]  }
0x61: {  	[sflag:s31] =	ssyncset.done $0x0;
	s19 =	sshrl.u32 s23, $0x3  }
0x62: {  	[sflag:s31] =	ssyncadd.s32 $0xFFFFC000;
	s18 =	sadd.s32 s1, s19  }
0x63: {  	[tilespmem:s4], [sflag:$0x3] =	stream.linear.gather [hbm4b:s18+s4], $0x80, $0x38;
	[tilespmem:$0x1BF00] =	vst v63  }
0x64: {  	s28 =	sadd.s32 $0x0, s22  }
0x65: {  	[tilespmem:s0], [sflag:$0x3] =	stream.linear.gather [hbm4b:s28+s4], $0x80, $0x38;
	[tilespmem:$0x1BF00] =	vst v63  }
0x66: {  	_ =	swait.ge [sflag:s14], $0x4000  }
0x67: {  	[sflag:s14] =	ssyncset.done $0x0  }
0x68: {  	[sflag:s14] =	ssyncadd.s32 $0xFFFFC000  }
0x69: {  	[spmem:s3] =	stream.indirect.scatter.add.f32 [tilespmem:s11], [sflag:$0x5], $0x80, s13, s5, $0xb8;
	[tilespmem:$0x1BF00] =	vst v63  }
0x6a: {  	_ =	swait.ge [sflag:s31], $0x4000  }
0x6b: {  	[sflag:s31] =	ssyncset.done $0x0  }
0x6c: {  	s19 =	sadd.s32 $0x0, s25;
	[sflag:s31] =	ssyncadd.s32 $0xFFFFC000  }
0x6d: {  	[tilespmem:s5], [sflag:$0x4] =	stream.linear.gather [hbm4b:s19+s4], $0x80, $0x38;
	[tilespmem:$0x1BF00] =	vst v63  }
0x6e: {  	s28 =	sadd.s32 $0x0, s24  }
0x6f: {  	[tilespmem:s13], [sflag:$0x4] =	stream.linear.gather [hbm4b:s28+s4], $0x80, $0x38;
	[tilespmem:$0x1BF00] =	vst v63  }
0x70: {  	_ =	swait.ge [sflag:s21], $0x80  }
0x71: {  	[sflag:s21] =	ssyncset.done $0x0  }
0x72: {  	[sflag:s21] =	ssyncadd.s32 $0xFFFFFF80  }
0x73: {  	_ =	swait.ge [sflag:s21], $0x80  }
0x74: {  	[sflag:s21] =	ssyncset.done $0x0  }
0x75: {  	[sflag:s21] =	ssyncadd.s32 $0xFFFFFF80  }
0x76: {  	[tilespmem:s30], [sflag:$0x1] =	stream.indirect.gather [hbm4b:s2+s5], $0x80, s4, s5, $0xb8;
	[tilespmem:$0x1BF00] =	vst v63  }
0x77: {  	_ =	swait.ge [sflag:s26], $0x80  }
0x78: {  	[sflag:s26] =	ssyncset.done $0x0  }
0x79: {  	[sflag:s26] =	ssyncadd.s32 $0xFFFFFF80  }
0x7a: {  	_ =	swait.ge [sflag:s26], $0x80  }
0x7b: {  	s18 =	simm.s32 $0x20;
	[sflag:s26] =	ssyncset.done $0x0  }
.LBB2_4:
0x7c: {  	p0 =	sne.s32 s18, $0x4A0;
	[sflag:s26] =	ssyncadd.s32 $0xFFFFFF80;
	s23 =	sadd.s32 $0x100, s23  }
0x7d: {  	[tilespmem:s11], [sflag:$0x2] =	stream.indirect.gather [hbm4b:s2+s5], $0x80, s5, s5, $0xb8;
	[tilespmem:$0x1BF00] =	vst v63  }
0x7e: {  	s19 =	smov.u32 s18;
	s18 =	sadd.s32 $0x20, s18;
	_ =	swait.ge [sflag:s12], $0x4000  }
0x7f: {  	[sflag:s12] =	ssyncset.done $0x0  }
0x80: {  	[sflag:s12] =	ssyncadd.s32 $0xFFFFC000  }
0x81: {  	[spmem:s3] =	stream.indirect.scatter.add.f32 [tilespmem:s30], [sflag:$0x5], $0x80, s0, s5, $0xb8;
	[tilespmem:$0x1BF00] =	vst v63  }
0x82: {  	_ =	swait.ge [sflag:s31], $0x4000  }
0x83: {  	s28 =	sshrl.u32 s23, $0x3;
	[sflag:s31] =	ssyncset.done $0x0  }
0x84: {  	s28 =	sadd.s32 s1, s28;
	[sflag:s31] =	ssyncadd.s32 $0xFFFFC000  }
0x85: {  	[tilespmem:s4], [sflag:$0x3] =	stream.linear.gather [hbm4b:s28+s4], $0x80, $0x38;
	[tilespmem:$0x1BF00] =	vst v63  }
0x86: {  	s28 =	sadd.s32 s19, s22  }
0x87: {  	[tilespmem:s0], [sflag:$0x3] =	stream.linear.gather [hbm4b:s28+s4], $0x80, $0x38;
	[tilespmem:$0x1BF00] =	vst v63  }
0x88: {  	_ =	swait.ge [sflag:s14], $0x4000  }
0x89: {  	[sflag:s14] =	ssyncset.done $0x0  }
0x8a: {  	[sflag:s14] =	ssyncadd.s32 $0xFFFFC000  }
0x8b: {  	[spmem:s3] =	stream.indirect.scatter.add.f32 [tilespmem:s11], [sflag:$0x5], $0x80, s13, s5, $0xb8;
	[tilespmem:$0x1BF00] =	vst v63  }
0x8c: {  	_ =	swait.ge [sflag:s31], $0x4000  }
0x8d: {  	[sflag:s31] =	ssyncset.done $0x0  }
0x8e: {  	s28 =	sadd.s32 s19, s25;
	[sflag:s31] =	ssyncadd.s32 $0xFFFFC000  }
0x8f: {  	[tilespmem:s5], [sflag:$0x4] =	stream.linear.gather [hbm4b:s28+s4], $0x80, $0x38;
	[tilespmem:$0x1BF00] =	vst v63  }
0x90: {  	s19 =	sadd.s32 s19, s24  }
0x91: {  	[tilespmem:s13], [sflag:$0x4] =	stream.linear.gather [hbm4b:s19+s4], $0x80, $0x38;
	[tilespmem:$0x1BF00] =	vst v63  }
0x92: {  	_ =	swait.ge [sflag:s21], $0x80  }
0x93: {  	[sflag:s21] =	ssyncset.done $0x0  }
0x94: {  	[sflag:s21] =	ssyncadd.s32 $0xFFFFFF80  }
0x95: {  	_ =	swait.ge [sflag:s21], $0x80  }
0x96: {  	[sflag:s21] =	ssyncset.done $0x0  }
0x97: {  	[sflag:s21] =	ssyncadd.s32 $0xFFFFFF80  }
0x98: {  	[tilespmem:s30], [sflag:$0x1] =	stream.indirect.gather [hbm4b:s2+s5], $0x80, s4, s5, $0xb8;
	[tilespmem:$0x1BF00] =	vst v63  }
.Ltmp1:
0x99: {  	_ =	swait.ge [sflag:s26], $0x80;
	(pc) =	sbr.rel @p0 .LBB2_4-.Ltmp1, $4  }
0x9a: {  	[sflag:s26] =	ssyncset.done $0x0  }
0x9b: {  	[sflag:s26] =	ssyncadd.s32 $0xFFFFFF80  }
0x9c: {  	_ =	swait.ge [sflag:s26], $0x80  }
0x9d: {  	[sflag:s26] =	ssyncset.done $0x0  }
0x9e: {  	[sflag:s26] =	ssyncadd.s32 $0xFFFFFF80  }
0x9f: {  	[tilespmem:s11], [sflag:$0x2] =	stream.indirect.gather [hbm4b:s2+s5], $0x80, s5, s5, $0xb8;
	[tilespmem:$0x1BF00] =	vst v63  }
0xa0: {  	_ =	swait.ge [sflag:s12], $0x4000  }
0xa1: {  	[sflag:s12] =	ssyncset.done $0x0  }
0xa2: {  	[sflag:s12] =	ssyncadd.s32 $0xFFFFC000  }
0xa3: {  	[spmem:s3] =	stream.indirect.scatter.add.f32 [tilespmem:s30], [sflag:$0x5], $0x80, s0, s5, $0xb8;
	[tilespmem:$0x1BF00] =	vst v63  }
0xa4: {  	_ =	swait.ge [sflag:s31], $0x4000  }
0xa5: {  	[sflag:s31] =	ssyncset.done $0x0  }
0xa6: {  	[sflag:s31] =	ssyncadd.s32 $0xFFFFC000  }
0xa7: {  	_ =	swait.ge [sflag:s14], $0x4000  }
0xa8: {  	[sflag:s14] =	ssyncset.done $0x0  }
0xa9: {  	[sflag:s14] =	ssyncadd.s32 $0xFFFFC000  }
0xaa: {  	[spmem:s3] =	stream.indirect.scatter.add.f32 [tilespmem:s11], [sflag:$0x5], $0x80, s13, s5, $0xb8;
	[tilespmem:$0x1BF00] =	vst v63  }
0xab: {  	_ =	swait.ge [sflag:s31], $0x4000  }
0xac: {  	s18 =	simm.s32 $0x0;
	[sflag:s31] =	ssyncset.done $0x0  }
0xad: {  	s23 =	simm.s32 $0x8200;
	s19 =	rddreg [dreg:$0xd];
	[sflag:s31] =	ssyncadd.s32 $0xFFFFC000  }
0xae: {  	[tilespmem:s23], [sflag:$0x5] =	stream.linear.gather [hbm4b:s19+s18], $0x10, $0x38;
	[tilespmem:$0x1BF00] =	vst v63  }
0xaf: {  	_ =	swait.ge [sflag:s31], $0x10  }
0xb0: {  	[sflag:s31] =	ssyncset.done $0x0  }
0xb1: {  	s28 =	simm.s32 $0x8280;
	s19 =	rddreg [dreg:$0xe];
	[sflag:s31] =	ssyncadd.s32 $0xFFFFFFF0  }
0xb2: {  	[tilespmem:s28], [sflag:$0x5] =	stream.linear.gather [hbm4b:s19+s18], $0x10, $0x38;
	[tilespmem:$0x1BF00] =	vst v63  }
0xb3: {  	_ =	swait.ge [sflag:s31], $0x10  }
0xb4: {  	[sflag:s31] =	ssyncset.done $0x0  }
0xb5: {  	s19 =	simm.s32 $0x10;
	[sflag:s31] =	ssyncadd.s32 $0xFFFFFFF0  }
0xb6: {  	[tilespmem:s30], [sflag:$0x1] =	stream.indirect.gather [hbm4b:s2+s19], $0x80, s23, s19, $0xb8;
	[tilespmem:$0x1BF00] =	vst v63  }
0xb7: {  	_ =	swait.ge [sflag:s12], $0x800  }
0xb8: {  	[sflag:s12] =	ssyncset.done $0x0  }
0xb9: {  	[sflag:s12] =	ssyncadd.s32 $0xFFFFF800  }
0xba: {  	[spmem:s3] =	stream.indirect.scatter.add.f32 [tilespmem:s30], [sflag:$0x5], $0x80, s28, s19, $0xb8;
	[tilespmem:$0x1BF00] =	vst v63  }
0xbb: {  	_ =	swait.ge [sflag:s31], $0x800  }
0xbc: {  	[sflag:s31] =	ssyncset.done $0x0  }
0xbd: {  	[sflag:s31] =	ssyncadd.s32 $0xFFFFF800  }
0xbe: {  	[tilespmem:s0], [sflag:$0x3] =	stream.linear.gather [hbm4b:s29+s18], $0x80, $0x38;
	[tilespmem:$0x1BF00] =	vst v63  }
0xbf: {  	s28 =	smov.u32 s29;
	s29 =	rddreg [dreg:$0x7]  }
0xc0: {  	[tilespmem:s13], [sflag:$0x4] =	stream.linear.gather [hbm4b:s29+s18], $0x80, $0x38;
	[tilespmem:$0x1BF00] =	vst v63  }
0xc1: {  	s23 =	simm.s32 $0x200;
	s18 =	simm.s32 $0x0  }
.LBB2_6:
0xc2: {  	p0 =	sne.s32 s23, $0xFE00;
	[tilespmem:s18+$0x270] =	vst v1  }
0xc3: {  	[tilespmem:s18+$0x200] =	vst v1  }
0xc4: {  	[tilespmem:s18+$0x210] =	vst v1  }
.Ltmp2:
0xc5: {  	[tilespmem:s18+$0x220] =	vst v1;
	(pc) =	sbr.rel @p0 .LBB2_6-.Ltmp2, $4  }
0xc6: {  	[tilespmem:s18+$0x230] =	vst v1  }
0xc7: {  	[tilespmem:s18+$0x240] =	vst v1  }
0xc8: {  	[tilespmem:s18+$0x250] =	vst v1  }
0xc9: {  	[tilespmem:s18+$0x260] =	vst v1;
	s18 =	sshra.s32 s23, $0x2;
	s23 =	sadd.s32 $0x200, s23  }
0xca: {  	[tilespmem:s18+$0x270] =	vst v1  }
0xcb: {  	[tilespmem:s18+$0x200] =	vst v1  }
0xcc: {  	[tilespmem:s18+$0x210] =	vst v1  }
0xcd: {  	[tilespmem:s18+$0x220] =	vst v1  }
0xce: {  	[tilespmem:s18+$0x230] =	vst v1  }
0xcf: {  	[tilespmem:s18+$0x240] =	vst v1  }
0xd0: {  	[tilespmem:s18+$0x250] =	vst v1  }
0xd1: {  	[tilespmem:s18+$0x260] =	vst v1  }
0xd2: {  	[bflag:$0x0] =	sbarrier.arrive $0xFFFF  }
0xd3: {  	[tilespmem:s11], [sflag:$0x5] =	stream.linear.gather [spmem:s6], $0x4000, $0x38;
	[tilespmem:$0x1BF00] =	vst v63  }
0xd4: {  	_ =	swait.ge [sflag:s31], $0x4000  }
0xd5: {  	[sflag:s31] =	ssyncset.done $0x0;
	s23 =	rddreg [dreg:$0xf]  }
0xd6: {  	s19 =	simm.s32 $0x0;
	[sflag:s31] =	ssyncadd.s32 $0xFFFFC000;
	s18 =	sadd.s32 s23, s15  }
0xd7: {  	[hbm4b:s18+s19] =	stream.linear.scatter [tilespmem:s11], [sflag:$0x5], $0x4000, $0x38;
	[tilespmem:$0x1BF00] =	vst v63  }
0xd8: {  	_ =	swait.ge [sflag:s31], $0x4000  }
0xd9: {  	[sflag:s31] =	ssyncset.done $0x0  }
0xda: {  	[sflag:s31] =	ssyncadd.s32 $0xFFFFC000  }
0xdb: {  	[tilespmem:s11], [sflag:$0x5] =	stream.linear.gather [spmem:s7], $0x4000, $0x38;
	[tilespmem:$0x1BF00] =	vst v63  }
0xdc: {  	_ =	swait.ge [sflag:s31], $0x4000  }
0xdd: {  	[sflag:s31] =	ssyncset.done $0x0  }
0xde: {  	s29 =	smov.u32 s16;
	s16 =	sadd.s32 s16, s15;
	[sflag:s31] =	ssyncadd.s32 $0xFFFFC000  }
0xdf: {  	[hbm4b:s16+s19] =	stream.linear.scatter [tilespmem:s11], [sflag:$0x5], $0x4000, $0x38;
	[tilespmem:$0x1BF00] =	vst v63  }
0xe0: {  	_ =	swait.ge [sflag:s31], $0x4000  }
0xe1: {  	[sflag:s31] =	ssyncset.done $0x0  }
0xe2: {  	[sflag:s31] =	ssyncadd.s32 $0xFFFFC000  }
0xe3: {  	[tilespmem:s11], [sflag:$0x5] =	stream.linear.gather [spmem:s8], $0x4000, $0x38;
	[tilespmem:$0x1BF00] =	vst v63  }
0xe4: {  	_ =	swait.ge [sflag:s31], $0x4000  }
0xe5: {  	[sflag:s31] =	ssyncset.done $0x0;
	s23 =	rddreg [dreg:$0x8]  }
0xe6: {  	[sflag:s31] =	ssyncadd.s32 $0xFFFFC000;
	s16 =	sadd.s32 s23, s15  }
0xe7: {  	[hbm4b:s16+s19] =	stream.linear.scatter [tilespmem:s11], [sflag:$0x5], $0x4000, $0x38;
	[tilespmem:$0x1BF00] =	vst v63  }
0xe8: {  	_ =	swait.ge [sflag:s31], $0x4000  }
0xe9: {  	[sflag:s31] =	ssyncset.done $0x0  }
0xea: {  	[sflag:s31] =	ssyncadd.s32 $0xFFFFC000  }
0xeb: {  	[tilespmem:s11], [sflag:$0x5] =	stream.linear.gather [spmem:s9], $0x4000, $0x38;
	[tilespmem:$0x1BF00] =	vst v63  }
0xec: {  	_ =	swait.ge [sflag:s31], $0x4000  }
0xed: {  	[sflag:s31] =	ssyncset.done $0x0;
	s23 =	rddreg [dreg:$0x9]  }
0xee: {  	[sflag:s31] =	ssyncadd.s32 $0xFFFFC000;
	s16 =	sadd.s32 s23, s15  }
0xef: {  	[hbm4b:s16+s19] =	stream.linear.scatter [tilespmem:s11], [sflag:$0x5], $0x4000, $0x38;
	[tilespmem:$0x1BF00] =	vst v63  }
0xf0: {  	_ =	swait.ge [sflag:s31], $0x4000  }
0xf1: {  	[sflag:s31] =	ssyncset.done $0x0  }
0xf2: {  	[sflag:s31] =	ssyncadd.s32 $0xFFFFC000  }
0xf3: {  	[tilespmem:s11], [sflag:$0x5] =	stream.linear.gather [spmem:s10], $0x3C00, $0x38;
	[tilespmem:$0x1BF00] =	vst v63  }
0xf4: {  	_ =	swait.ge [sflag:s31], $0x3C00  }
0xf5: {  	[sflag:s31] =	ssyncset.done $0x0;
	s23 =	rddreg [dreg:$0xa]  }
0xf6: {  	[sflag:s31] =	ssyncadd.s32 $0xFFFFC400;
	s16 =	sadd.s32 s23, s15  }
0xf7: {  	[hbm4b:s16+s19] =	stream.linear.scatter [tilespmem:s11], [sflag:$0x5], $0x3C00, $0x38;
	[tilespmem:$0x1BF00] =	vst v63  }
0xf8: {  	_ =	swait.ge [sflag:s31], $0x3C00  }
0xf9: {  	[sflag:s31] =	ssyncset.done $0x0  }
0xfa: {  	[sflag:s31] =	ssyncadd.s32 $0xFFFFC400  }
0xfb: {  	[bflag:$0x0] =	sbarrier.arrive $0xFFFF  }
0xfc: {  	_ =	swait.ge [sflag:s21], $0x80  }
0xfd: {  	[sflag:s21] =	ssyncset.done $0x0  }
0xfe: {  	[sflag:s21] =	ssyncadd.s32 $0xFFFFFF80  }
0xff: {  	[spmem:s3] =	stream.indirect.scatter.add.f32 [tilespmem:s30], [sflag:$0x1], $0x80, s0, s5, $0xb8;
	[tilespmem:$0x1BF00] =	vst v63  }
0x100: {  	_ =	swait.ge [sflag:s26], $0x80  }
0x101: {  	[sflag:s26] =	ssyncset.done $0x0  }
0x102: {  	[sflag:s26] =	ssyncadd.s32 $0xFFFFFF80  }
0x103: {  	[spmem:s3] =	stream.indirect.scatter.add.f32 [tilespmem:s30], [sflag:$0x2], $0x80, s13, s5, $0xb8;
	[tilespmem:$0x1BF00] =	vst v63  }
0x104: {  	_ =	swait.ge [sflag:s12], $0x4000  }
0x105: {  	[sflag:s12] =	ssyncset.done $0x0  }
0x106: {  	s19 =	sadd.s32 $0x0, s22;
	[sflag:s12] =	ssyncadd.s32 $0xFFFFC000  }
0x107: {  	[tilespmem:s0], [sflag:$0x3] =	stream.linear.gather [hbm4b:s19+s4], $0x80, $0x38;
	[tilespmem:$0x1BF00] =	vst v63  }
0x108: {  	_ =	swait.ge [sflag:s14], $0x4000  }
0x109: {  	[sflag:s14] =	ssyncset.done $0x0  }
0x10a: {  	s23 =	sadd.s32 $0x0, s24;
	[sflag:s14] =	ssyncadd.s32 $0xFFFFC000  }
0x10b: {  	[tilespmem:s13], [sflag:$0x4] =	stream.linear.gather [hbm4b:s23+s4], $0x80, $0x38;
	[tilespmem:$0x1BF00] =	vst v63  }
0x10c: {  	_ =	swait.ge [sflag:s21], $0x80  }
0x10d: {  	[sflag:s21] =	ssyncset.done $0x0  }
0x10e: {  	[sflag:s21] =	ssyncadd.s32 $0xFFFFFF80  }
0x10f: {  	[spmem:s3] =	stream.indirect.scatter.add.f32 [tilespmem:s30], [sflag:$0x1], $0x80, s0, s5, $0xb8;
	[tilespmem:$0x1BF00] =	vst v63  }
0x110: {  	_ =	swait.ge [sflag:s26], $0x80  }
0x111: {  	s18 =	simm.s32 $0x20;
	[sflag:s26] =	ssyncset.done $0x0  }
.LBB2_8:
0x112: {  	p0 =	sne.s32 s18, $0x4A0  }
0x113: {  	[sflag:s26] =	ssyncadd.s32 $0xFFFFFF80;
	s19 =	smov.u32 s18;
	s18 =	sadd.s32 $0x20, s18  }
0x114: {  	[spmem:s3] =	stream.indirect.scatter.add.f32 [tilespmem:s30], [sflag:$0x2], $0x80, s13, s5, $0xb8;
	[tilespmem:$0x1BF00] =	vst v63  }
0x115: {  	_ =	swait.ge [sflag:s12], $0x4000  }
0x116: {  	[sflag:s12] =	ssyncset.done $0x0  }
0x117: {  	s23 =	sadd.s32 s19, s22;
	[sflag:s12] =	ssyncadd.s32 $0xFFFFC000  }
0x118: {  	[tilespmem:s0], [sflag:$0x3] =	stream.linear.gather [hbm4b:s23+s4], $0x80, $0x38;
	[tilespmem:$0x1BF00] =	vst v63  }
0x119: {  	_ =	swait.ge [sflag:s14], $0x4000  }
0x11a: {  	[sflag:s14] =	ssyncset.done $0x0  }
0x11b: {  	s19 =	sadd.s32 s19, s24;
	[sflag:s14] =	ssyncadd.s32 $0xFFFFC000  }
0x11c: {  	[tilespmem:s13], [sflag:$0x4] =	stream.linear.gather [hbm4b:s19+s4], $0x80, $0x38;
	[tilespmem:$0x1BF00] =	vst v63  }
0x11d: {  	_ =	swait.ge [sflag:s21], $0x80  }
.Ltmp3:
0x11e: {  	[sflag:s21] =	ssyncset.done $0x0;
	(pc) =	sbr.rel @p0 .LBB2_8-.Ltmp3, $4  }
0x11f: {  	[sflag:s21] =	ssyncadd.s32 $0xFFFFFF80  }
0x120: {  	[spmem:s3] =	stream.indirect.scatter.add.f32 [tilespmem:s30], [sflag:$0x1], $0x80, s0, s5, $0xb8;
	[tilespmem:$0x1BF00] =	vst v63  }
0x121: {  	_ =	swait.ge [sflag:s26], $0x80  }
0x122: {  	[sflag:s26] =	ssyncset.done $0x0  }
0x123: {  	[sflag:s26] =	ssyncadd.s32 $0xFFFFFF80  }
0x124: {  	[spmem:s3] =	stream.indirect.scatter.add.f32 [tilespmem:s30], [sflag:$0x2], $0x80, s13, s5, $0xb8;
	[tilespmem:$0x1BF00] =	vst v63  }
0x125: {  	_ =	swait.ge [sflag:s12], $0x4000  }
0x126: {  	[sflag:s12] =	ssyncset.done $0x0  }
0x127: {  	[sflag:s12] =	ssyncadd.s32 $0xFFFFC000  }
0x128: {  	_ =	swait.ge [sflag:s14], $0x4000  }
0x129: {  	[sflag:s14] =	ssyncset.done $0x0  }
0x12a: {  	s18 =	simm.s32 $0x8280;
	s16 =	rddreg [dreg:$0xe];
	[sflag:s14] =	ssyncadd.s32 $0xFFFFC000  }
0x12b: {  	[tilespmem:s18], [sflag:$0x5] =	stream.linear.gather [hbm4b:s16+s4], $0x10, $0x38;
	[tilespmem:$0x1BF00] =	vst v63  }
0x12c: {  	_ =	swait.ge [sflag:s31], $0x10  }
0x12d: {  	[sflag:s31] =	ssyncset.done $0x0  }
0x12e: {  	s23 =	simm.s32 $0x10;
	[sflag:s31] =	ssyncadd.s32 $0xFFFFFFF0  }
0x12f: {  	[spmem:s3] =	stream.indirect.scatter.add.f32 [tilespmem:s30], [sflag:$0x5], $0x80, s18, s23, $0xb8;
	[tilespmem:$0x1BF00] =	vst v63  }
0x130: {  	_ =	swait.ge [sflag:s31], $0x800  }
0x131: {  	[sflag:s31] =	ssyncset.done $0x0  }
0x132: {  	[sflag:s31] =	ssyncadd.s32 $0xFFFFF800  }
0x133: {  	[bflag:$0x0] =	sbarrier.arrive $0xFFFF  }
0x134: {  	[tilespmem:s11], [sflag:$0x5] =	stream.linear.gather [spmem:s6], $0x4000, $0x38;
	[tilespmem:$0x1BF00] =	vst v63  }
0x135: {  	_ =	swait.ge [sflag:s31], $0x4000  }
0x136: {  	[sflag:s31] =	ssyncset.done $0x0;
	s19 =	rddreg [dreg:$0xf]  }
0x137: {  	[sflag:s31] =	ssyncadd.s32 $0xFFFFC000;
	s23 =	sadd.s32 s19, s20  }
0x138: {  	[hbm4b:s23+s4] =	stream.linear.scatter [tilespmem:s11], [sflag:$0x5], $0x4000, $0x38;
	[tilespmem:$0x1BF00] =	vst v63  }
0x139: {  	_ =	swait.ge [sflag:s31], $0x4000  }
0x13a: {  	[sflag:s31] =	ssyncset.done $0x0  }
0x13b: {  	[sflag:s31] =	ssyncadd.s32 $0xFFFFC000  }
0x13c: {  	[tilespmem:s11], [sflag:$0x5] =	stream.linear.gather [spmem:s7], $0x4000, $0x38;
	[tilespmem:$0x1BF00] =	vst v63  }
0x13d: {  	_ =	swait.ge [sflag:s31], $0x4000  }
0x13e: {  	[sflag:s31] =	ssyncset.done $0x0  }
0x13f: {  	s16 =	sadd.s32 s29, s20;
	[sflag:s31] =	ssyncadd.s32 $0xFFFFC000  }
0x140: {  	[hbm4b:s16+s4] =	stream.linear.scatter [tilespmem:s11], [sflag:$0x5], $0x4000, $0x38;
	[tilespmem:$0x1BF00] =	vst v63  }
0x141: {  	_ =	swait.ge [sflag:s31], $0x4000  }
0x142: {  	[sflag:s31] =	ssyncset.done $0x0  }
0x143: {  	[sflag:s31] =	ssyncadd.s32 $0xFFFFC000  }
0x144: {  	[tilespmem:s11], [sflag:$0x5] =	stream.linear.gather [spmem:s8], $0x4000, $0x38;
	[tilespmem:$0x1BF00] =	vst v63  }
0x145: {  	_ =	swait.ge [sflag:s31], $0x4000  }
0x146: {  	[sflag:s31] =	ssyncset.done $0x0;
	s18 =	rddreg [dreg:$0x8]  }
0x147: {  	[sflag:s31] =	ssyncadd.s32 $0xFFFFC000;
	s19 =	sadd.s32 s18, s20  }
0x148: {  	[hbm4b:s19+s4] =	stream.linear.scatter [tilespmem:s11], [sflag:$0x5], $0x4000, $0x38;
	[tilespmem:$0x1BF00] =	vst v63  }
0x149: {  	_ =	swait.ge [sflag:s31], $0x4000  }
0x14a: {  	[sflag:s31] =	ssyncset.done $0x0  }
0x14b: {  	[sflag:s31] =	ssyncadd.s32 $0xFFFFC000  }
0x14c: {  	[tilespmem:s11], [sflag:$0x5] =	stream.linear.gather [spmem:s9], $0x4000, $0x38;
	[tilespmem:$0x1BF00] =	vst v63  }
0x14d: {  	_ =	swait.ge [sflag:s31], $0x4000  }
0x14e: {  	[sflag:s31] =	ssyncset.done $0x0;
	s23 =	rddreg [dreg:$0x9]  }
0x14f: {  	[sflag:s31] =	ssyncadd.s32 $0xFFFFC000;
	s16 =	sadd.s32 s23, s20  }
0x150: {  	[hbm4b:s16+s4] =	stream.linear.scatter [tilespmem:s11], [sflag:$0x5], $0x4000, $0x38;
	[tilespmem:$0x1BF00] =	vst v63  }
0x151: {  	_ =	swait.ge [sflag:s31], $0x4000  }
0x152: {  	[sflag:s31] =	ssyncset.done $0x0  }
0x153: {  	[sflag:s31] =	ssyncadd.s32 $0xFFFFC000  }
0x154: {  	[tilespmem:s11], [sflag:$0x5] =	stream.linear.gather [spmem:s10], $0x3C00, $0x38;
	[tilespmem:$0x1BF00] =	vst v63  }
0x155: {  	_ =	swait.ge [sflag:s31], $0x3C00  }
0x156: {  	[sflag:s31] =	ssyncset.done $0x0;
	s18 =	rddreg [dreg:$0xa]  }
0x157: {  	[sflag:s31] =	ssyncadd.s32 $0xFFFFC400;
	s19 =	sadd.s32 s18, s20  }
0x158: {  	[hbm4b:s19+s4] =	stream.linear.scatter [tilespmem:s11], [sflag:$0x5], $0x3C00, $0x38;
	[tilespmem:$0x1BF00] =	vst v63  }
0x159: {  	_ =	swait.ge [sflag:s31], $0x3C00  }
0x15a: {  	s17 =	sadd.s32 $0x1, s17;
	s23 =	rddreg [dreg:$0xb]  }
0x15b: {  	p0 =	sne.s32 s17, s23  }
.Ltmp4:
0x15c: {  	_ = 	snop;
	(pc) =	sbr.rel @p0 .LBB2_1-.Ltmp4, $3  }
0x15d: {  	_ =	sdelay $0x1  }
0x15e: {  	[sflag:s31] =	ssyncset.done $0x0  }
0x15f: {  	[sflag:s31] =	ssyncadd.s32 $0xFFFFC400  }
0x160: {  	_ =	sfence.sel $0x180000  }
0x161: {  	[bflag:$0x0] =	sbarrier.arrive $0xFFFF  }
0x162: {  	_ =	strace $0x90000047  }
0x163: {  	s0 =	stileid.u32;
	[bflag:$0x2] =	sbarrier.arrive $0xFFFF  }
0x164: {  	p0 =	sne.s32 s0, $0x0;
	s0 =	rddreg [dreg:$0x4]  }
0x165: {  	s0 =	sadd.s32 @!p0 $0x100000, s0  }
0x166: {  	[sflag:s0] =	ssyncadd.tile.s32 @!p0 $0x1;
	_ =	shalt  }
.Lfunc_end2:
_tile_overlayer_lowered:
.L_overlay_start_2:
0x167: {  	(tag) =	ssettag $0x2  }
0x168: {  	s0 =	rddreg [dreg:$0x0];
	s2 =	stileid.u32  }
0x169: {  	s1 =	rddreg [dreg:$0x1];
	p0 =	sne.s32 s2, $0x0  }
0x16a: {  	s3 =	rddreg [dreg:$0x2];
	[bflag:$0x3] =	sbarrier.arrive $0xFFFF;
	s2 =	simm.s32 @!p0 $0x1C05  }
0x16b: {  	[timem:s3], [sflag:s2] =	dma.local @!p0 [hbm:s0], s1  }
0x16c: {  	s0 =	simm.s32 @!p0 $0x5  }
0x16d: {  	_ =	swait.ge @!p0 [sflag:s0], s1  }
0x16e: {  	s1 =	ssub.s32 @!p0 $0x0, s1;
	[sflag:s0] =	ssyncset.done @!p0 $0x0  }
0x16f: {  	[sflag:s0] =	ssyncadd.s32 @!p0 s1  }
0x170: {  	[bflag:$0x3] =	sbarrier.arrive $0xFFFF  }
0x171: {  	_ =	shalt  }

</sc_bundles>
